<compile_context>
chip_gen: v7x
topology: tpu7x:2x2x1
jax: 0.10.2.dev20260603
libtpu: 0.0.44.dev20260713+nightly
codegen_flags: <defaults>
</compile_context>

<pallas_src>
import functools

import jax
import jax.numpy as jnp
from jax import lax
from jax.experimental import pallas as pl
from jax.experimental.pallas import tpu as pltpu
from jax.experimental.pallas import tpu_sc as plsc

_N = 10000
_E = 320000
_D = 128
_DH = 64
_OUT = 64

_NC = 2
_NS = 16
_NW = _NC * _NS
_K = 80
_NCH = 125
_EPAD = _NW * _NCH * _K
_NPAD = 10240
_NPT = _NPAD // _NS


def _make_segsum(with_count):
    mesh = plsc.VectorSubcoreMesh(core_axis_name="c", subcore_axis_name="s")
    if with_count:
        out_type = (
            jax.ShapeDtypeStruct((_NC, _NPAD, _D), jnp.float32),
            jax.ShapeDtypeStruct((_NC, _NPAD), jnp.float32),
        )
    else:
        out_type = jax.ShapeDtypeStruct((_NC, _NPAD, _D), jnp.float32)

    scratch = [
        pltpu.VMEM((_NCH, _K), jnp.int32),
        pltpu.VMEM((_NCH, _K), jnp.int32),
        pltpu.VMEM((_K, _D), jnp.float32),
        pltpu.VMEM((_K,), jnp.float32),
        pltpu.VMEM_SHARED((_NPAD, _D), jnp.float32),
        pltpu.VMEM_SHARED((_NPAD,), jnp.float32),
        pltpu.SemaphoreType.DMA,
    ]

    @functools.partial(pl.kernel, mesh=mesh, out_type=out_type,
                       scratch_types=scratch)
    def seg(x_hbm, srcg, dstg, zrows, zcnt, *rest):
        if with_count:
            (s_out, c_out, idxs, idxd, rows, ones_v, acc, cnt, gsem) = rest
        else:
            (s_out, idxs, idxd, rows, ones_v, acc, cnt, gsem) = rest
        c = lax.axis_index("c")
        s = lax.axis_index("s")
        wid = c * _NS + s

        pltpu.sync_copy(zrows.at[pl.ds(s * _NPT, _NPT)],
                        acc.at[pl.ds(s * _NPT, _NPT)])
        if with_count:
            @pl.when(s == 0)
            def _zero_cnt():
                pltpu.sync_copy(zcnt, cnt)

            def _fill(i, carry):
                ones_v[pl.ds(i * 16, 16)] = jnp.ones((16,), jnp.float32)
                return carry
            lax.fori_loop(0, _K // 16, _fill, 0)
        pltpu.sync_copy(srcg.at[wid], idxs)
        pltpu.sync_copy(dstg.at[wid], idxd)
        plsc.subcore_barrier()

        def _body(j, carry):
            pltpu.async_copy(x_hbm.at[idxs.at[j]], rows, gsem).wait()
            pltpu.sync_copy(rows, acc.at[idxd.at[j]], add=True)
            if with_count:
                pltpu.sync_copy(ones_v, cnt.at[idxd.at[j]], add=True)
            return carry
        lax.fori_loop(0, _NCH, _body, 0)
        plsc.subcore_barrier()

        pltpu.sync_copy(acc.at[pl.ds(s * _NPT, _NPT)],
                        s_out.at[c, pl.ds(s * _NPT, _NPT)])
        if with_count:
            @pl.when(s == 0)
            def _cnt_out():
                pltpu.sync_copy(cnt, c_out.at[c])

    return seg


_segsum_cnt = _make_segsum(True)
_segsum = _make_segsum(False)

_BR = 1000


def _combine(sp_ref, cn_ref):
    ssum = sp_ref[0] + sp_ref[1]
    cn = cn_ref[0] + cn_ref[1]
    return ssum / jnp.maximum(cn, 1.0)


def _sage(x, agg, wl_ref, bl_ref, wr_ref, br_ref):
    dn = (((1,), (1,)), ((), ()))
    out = (lax.dot_general(x, wl_ref[...], dn,
                           preferred_element_type=jnp.float32)
           + lax.dot_general(agg, wr_ref[...], dn,
                             preferred_element_type=jnp.float32)
           + bl_ref[...] + br_ref[...])
    nrm = jnp.sqrt(jnp.sum(out * out, axis=1, keepdims=True))
    out = out / jnp.maximum(nrm, 1e-12)
    return jnp.maximum(out, 0.0)


def _lin_body(x_ref, w_ref, b_ref, o_ref):
    dn = (((1,), (1,)), ((), ()))
    o_ref[...] = lax.dot_general(x_ref[...], w_ref[...], dn,
                                 preferred_element_type=jnp.float32) \
        + b_ref[...]


def _finish(xa, sp_ref, cn_ref, wr_ref):
    agg = _combine(sp_ref, cn_ref)
    dn = (((1,), (1,)), ((), ()))
    out = xa + lax.dot_general(agg, wr_ref[...], dn,
                               preferred_element_type=jnp.float32)
    nrm = jnp.sqrt(jnp.sum(out * out, axis=1, keepdims=True))
    out = out / jnp.maximum(nrm, 1e-12)
    return jnp.maximum(out, 0.0)


def _layer1_body(xa_ref, sp_ref, cn_ref, wr_ref, o_ref):
    o_ref[...] = _finish(xa_ref[...], sp_ref, cn_ref, wr_ref)


def _layer2_body(ha_ref, sp_ref, cn_ref, wr_ref,
                 wp1_ref, bp1_ref, wp2_ref, bp2_ref, o_ref):
    h2 = _finish(ha_ref[...], sp_ref, cn_ref, wr_ref)
    dn = (((1,), (1,)), ((), ()))
    t = lax.dot_general(h2, wp1_ref[...], dn,
                        preferred_element_type=jnp.float32) + bp1_ref[...]
    y = lax.dot_general(t, wp2_ref[...], dn,
                        preferred_element_type=jnp.float32) + bp2_ref[...]
    m = jnp.max(y, axis=1, keepdims=True)
    z = y - m
    o_ref[...] = z - jnp.log(jnp.sum(jnp.exp(z), axis=1, keepdims=True))


def _wspec(r, c):
    return pl.BlockSpec((r, c), lambda i: (0, 0))


_ROW_SPECS = [
    pl.BlockSpec((_BR, _D), lambda i: (i, 0)),
    pl.BlockSpec((_NC, _BR, _D), lambda i: (0, i, 0)),
    pl.BlockSpec((_NC, _BR, 1), lambda i: (0, i, 0)),
]

_lin = pl.pallas_call(
    _lin_body,
    grid=(_N // _BR,),
    in_specs=[pl.BlockSpec((_BR, _D), lambda i: (i, 0)),
              _wspec(_D, _D), _wspec(1, _D)],
    out_specs=pl.BlockSpec((_BR, _D), lambda i: (i, 0)),
    out_shape=jax.ShapeDtypeStruct((_N, _D), jnp.float32),
)

_layer1 = pl.pallas_call(
    _layer1_body,
    grid=(_N // _BR,),
    in_specs=_ROW_SPECS + [_wspec(_D, _D)],
    out_specs=pl.BlockSpec((_BR, _D), lambda i: (i, 0)),
    out_shape=jax.ShapeDtypeStruct((_N, _D), jnp.float32),
)

_layer2 = pl.pallas_call(
    _layer2_body,
    grid=(_N // _BR,),
    in_specs=_ROW_SPECS + [_wspec(_D, _D),
                           _wspec(_D, _D), _wspec(1, _D),
                           _wspec(_OUT, _D), _wspec(1, _OUT)],
    out_specs=pl.BlockSpec((_BR, _OUT), lambda i: (i, 0)),
    out_shape=jax.ShapeDtypeStruct((_N, _OUT), jnp.float32),
)


def _edge_tables(edge_index):
    pad = _EPAD - _E
    srcg = jnp.concatenate(
        [edge_index[0], jnp.zeros((pad,), jnp.int32)]).reshape(_NW, _NCH, _K)
    dstg = jnp.concatenate(
        [edge_index[1], jnp.full((pad,), _N, jnp.int32)]
    ).reshape(_NW, _NCH, _K)
    return srcg, dstg


def kernel(x, edge_index, batch, W1l, b1l, W1r, b1r, W2l, b2l, W2r, b2r,
           Wp1, bp1, Wp2, bp2):
    srcg, dstg = _edge_tables(edge_index)
    zrows = jnp.zeros((_NPAD, _D), jnp.float32)
    zcnt = jnp.zeros((_NPAD,), jnp.float32)

    s1, cnt = _segsum_cnt(x, srcg, dstg, zrows, zcnt)
    xa = _lin(x, W1l, (b1l + b1r).reshape(1, _D))
    cnt2 = cnt.reshape(_NC, _NPAD, 1)
    h1 = _layer1(xa, s1, cnt2, W1r)
    s2 = _segsum(h1, srcg, dstg, zrows, zcnt)
    ha = _lin(h1, W2l, (b2l + b2r).reshape(1, _D))
    out = _layer2(ha, s2, cnt2, W2r, Wp1, bp1.reshape(1, _D),
                  Wp2, bp2.reshape(1, _OUT))
    return out

# --- scband reference (transcript-rebuilt; emitter-appended) ---
"""Pipeline reference for scband-gnnstack-20323785244960 (READ-ONLY COPY).

The authoritative reference and input builder live on the scoring server;
editing this copy changes nothing except your own understanding.
"""

import jax, jax.numpy as jnp
import numpy as np

N = 10000
E = 320000
D = 128
H = 128
OUT = 64


def _lin_init(key, out_f, in_f):
    s = 1.0 / np.sqrt(in_f)
    kw, kb = jax.random.split(key)
    W = jax.random.uniform(kw, (out_f, in_f), minval=-s, maxval=s, dtype=jnp.float32)
    b = jax.random.uniform(kb, (out_f,), minval=-s, maxval=s, dtype=jnp.float32)
    return W, b


def setup_inputs(seed: int = 0):
    key = jax.random.key(seed)
    ks = jax.random.split(key, 10)
    x = jax.random.normal(ks[0], (N, D), dtype=jnp.float32)
    edge_index = jax.random.randint(ks[1], (2, E), 0, N, dtype=jnp.int32)
    batch = jnp.zeros((N,), dtype=jnp.int32)
    W1l, b1l = _lin_init(ks[2], H, D)
    W1r, b1r = _lin_init(ks[3], H, D)
    W2l, b2l = _lin_init(ks[4], H, H)
    W2r, b2r = _lin_init(ks[5], H, H)
    Wp1, bp1 = _lin_init(ks[6], H, H)
    Wp2, bp2 = _lin_init(ks[7], OUT, H)
    return {"x": x, "edge_index": edge_index, "batch": batch,
            "W1l": W1l, "b1l": b1l, "W1r": W1r, "b1r": b1r,
            "W2l": W2l, "b2l": b2l, "W2r": W2r, "b2r": b2r,
            "Wp1": Wp1, "bp1": bp1, "Wp2": Wp2, "bp2": bp2}


def _sage_layer(x, edge_index, Wl, bl, Wr, br):
    src = edge_index[0]
    dst = edge_index[1]
    msg = jnp.take(x, src, axis=0)  # gather x_j
    num_nodes = x.shape[0]
    s = jax.ops.segment_sum(msg, dst, num_segments=num_nodes)
    cnt = jax.ops.segment_sum(jnp.ones((edge_index.shape[1], 1), dtype=x.dtype), dst, num_segments=num_nodes)
    agg = s / jnp.maximum(cnt, 1.0)  # scatter-mean
    out = x @ Wl.T + bl + agg @ Wr.T + br
    norm = jnp.sqrt(jnp.sum(out * out, axis=1, keepdims=True))
    out = out / jnp.maximum(norm, 1e-12)  # F.normalize(p=2, dim=1)
    return out


def reference(x, edge_index, batch, W1l, b1l, W1r, b1r, W2l, b2l, W2r, b2r, Wp1, bp1, Wp2, bp2):
    h = _sage_layer(x, edge_index, W1l, b1l, W1r, b1r)
    h = jax.nn.relu(h)
    # dropout p=0.0 -> identity
    h = _sage_layer(h, edge_index, W2l, b2l, W2r, b2r)
    h = jax.nn.relu(h)
    h = h @ Wp1.T + bp1
    h = h @ Wp2.T + bp2
    return jax.nn.log_softmax(h, axis=1)

if __name__ == "__main__":
    import jax
    _d = setup_inputs()
    print(jax.jit(kernel)(*tuple(_d.values())))

</pallas_src>

<mosaic_0001>
#map = affine_map<(d0, d1) -> (0, 0)>
#map1 = affine_map<(d0, d1) -> (0, 0, 0)>
#map2 = affine_map<(d0, d1) -> (0)>
module attributes {stable_mosaic.version = 14 : i64} {
  func.func @seg(%arg0: i32, %arg1: i32, %arg2: memref<10000x128xf32, #tpu.memory_space<hbm>>, %arg3: memref<32x125x80xi32, #tpu.memory_space<hbm>>, %arg4: memref<32x125x80xi32, #tpu.memory_space<hbm>>, %arg5: memref<10240x128xf32, #tpu.memory_space<hbm>>, %arg6: memref<10240xf32, #tpu.memory_space<hbm>>, %arg7: memref<2x10240x128xf32, #tpu.memory_space<hbm>>, %arg8: memref<2x10240xf32, #tpu.memory_space<hbm>>, %arg9: memref<125x80xi32, #tpu.memory_space<vmem>>, %arg10: memref<125x80xi32, #tpu.memory_space<vmem>>, %arg11: memref<80x128xf32, #tpu.memory_space<vmem>>, %arg12: memref<80xf32, #tpu.memory_space<vmem>>, %arg13: memref<10240x128xf32, #tpu.memory_space<vmem_shared>>, %arg14: memref<10240xf32, #tpu.memory_space<vmem_shared>>, %arg15: memref<!tpu.dma_semaphore, #tpu.memory_space<semaphore_mem>>) attributes {dimension_semantics = [#tpu.dimension_semantics<core_parallel>, #tpu.dimension_semantics<subcore_parallel>], iteration_bounds = array<i64: 2, 16>, scalar_prefetch = 0 : i64, scratch_operands = 7 : i64, tpu.core_type = #tpu.core_type<sc_vector_subcore>, window_params = [{transform_indices = #map}, {transform_indices = #map1}, {transform_indices = #map1}, {transform_indices = #map}, {transform_indices = #map2}, {transform_indices = #map1}, {transform_indices = #map}]} {
    %mul3A = arith.constant 16 : i32
    %mul3A_0 = arith.muli %arg0, %mul3A : i32
    %add3A = arith.addi %mul3A_0, %arg1 : i32
    %mul3A_1 = arith.constant 640 : i32
    %mul3A_2 = arith.muli %arg1, %mul3A_1 : i32
    %mul3A_3 = arith.constant 640 : i32
    %mul3A_4 = arith.muli %arg1, %mul3A_3 : i32
    "tpu.region"() ({
      %run_scoped3A = tpu.sem_alloc : memref<!tpu.dma_semaphore, #tpu.memory_space<semaphore_mem>>
      %dma_start3A = arith.constant 0 : i32
      %dma_start3A_28 = tpu.memref_slice %arg13[%mul3A_4, %dma_start3A] : memref<10240x128xf32, #tpu.memory_space<vmem_shared>> -> memref<640x128xf32, #tpu.memory_space<vmem_shared>>
      %dma_start3A_29 = arith.constant 0 : i32
      %dma_start3A_30 = tpu.memref_slice %arg5[%mul3A_2, %dma_start3A_29] : memref<10240x128xf32, #tpu.memory_space<hbm>> -> memref<640x128xf32, #tpu.memory_space<hbm>>
      tpu.enqueue_dma source(%dma_start3A_30 : memref<640x128xf32, #tpu.memory_space<hbm>>) target(%dma_start3A_28 : memref<640x128xf32, #tpu.memory_space<vmem_shared>>) target_semaphore(%run_scoped3A : memref<!tpu.dma_semaphore, #tpu.memory_space<semaphore_mem>>)
      %dma_wait3A = arith.constant 0 : i32
      %dma_wait3A_31 = tpu.memref_slice %arg13[%mul3A_4, %dma_wait3A] : memref<10240x128xf32, #tpu.memory_space<vmem_shared>> -> memref<640x128xf32, #tpu.memory_space<vmem_shared>>
      %dma_wait3A_32 = arith.constant 0 : i32
      %dma_wait3A_33 = tpu.memref_slice %arg5[%mul3A_2, %dma_wait3A_32] : memref<10240x128xf32, #tpu.memory_space<hbm>> -> memref<640x128xf32, #tpu.memory_space<hbm>>
      tpu.wait_dma2 semaphore(%run_scoped3A : memref<!tpu.dma_semaphore, #tpu.memory_space<semaphore_mem>>) src(%dma_wait3A_33 : memref<640x128xf32, #tpu.memory_space<hbm>>) dst(%dma_wait3A_31 : memref<640x128xf32, #tpu.memory_space<vmem_shared>>)
      tpu.yield
    }) : () -> ()
    %eq3A = arith.constant 0 : i32
    %eq3A_5 = arith.cmpi eq, %arg1, %eq3A : i32
    %convert_element_type3A = arith.extui %eq3A_5 : i1 to i32
    %cond3A = arith.constant 0 : i32
    %cond3A_6 = arith.cmpi ne, %convert_element_type3A, %cond3A : i32
    scf.if %cond3A_6 {
      "tpu.region"() ({
        %run_scoped3A = tpu.sem_alloc : memref<!tpu.dma_semaphore, #tpu.memory_space<semaphore_mem>>
        tpu.enqueue_dma source(%arg6 : memref<10240xf32, #tpu.memory_space<hbm>>) target(%arg14 : memref<10240xf32, #tpu.memory_space<vmem_shared>>) target_semaphore(%run_scoped3A : memref<!tpu.dma_semaphore, #tpu.memory_space<semaphore_mem>>)
        tpu.wait_dma2 semaphore(%run_scoped3A : memref<!tpu.dma_semaphore, #tpu.memory_space<semaphore_mem>>) src(%arg6 : memref<10240xf32, #tpu.memory_space<hbm>>) dst(%arg14 : memref<10240xf32, #tpu.memory_space<vmem_shared>>)
        tpu.yield
      }) : () -> ()
    } else {
    }
    %scan3A = arith.constant 0 : i32
    %scan3A_7 = arith.constant 0 : i32
    %scan3A_8 = arith.constant 5 : i32
    %scan3A_9 = arith.addi %scan3A_7, %scan3A_8 : i32
    %scan3A_10 = arith.constant 1 : i32
    scf.for %scan3A_28 = %scan3A_7 to %scan3A_9 step %scan3A_10  : i32 {
      %broadcast_in_dim3A = arith.constant 1.000000e+00 : f32
      %broadcast_in_dim3A_29 = vector.broadcast %broadcast_in_dim3A : f32 to vector<16xf32>
      %mul3A_30 = arith.constant 16 : i32
      %mul3A_31 = arith.muli %scan3A_28, %mul3A_30 : i32
      %swap3A = arith.index_cast %mul3A_31 : i32 to index
      %swap3A_32 = tpu.vector_load %arg12[%swap3A] {strides = array<i32>} : memref<80xf32, #tpu.memory_space<vmem>>, vector<16xf32>,
      %swap3A_33 = vector.shape_cast %swap3A_32 : vector<16xf32> to vector<16xf32>
      %swap3A_34 = vector.shape_cast %broadcast_in_dim3A_29 : vector<16xf32> to vector<16xf32>
      tpu.vector_store %arg12[%swap3A], %swap3A_34 {strides = array<i32>} : memref<80xf32, #tpu.memory_space<vmem>>, vector<16xf32>,
    }
    %scan3A_11 = arith.constant 5 : i32
    "tpu.region"() ({
      %run_scoped3A = tpu.sem_alloc : memref<!tpu.dma_semaphore, #tpu.memory_space<semaphore_mem>>
      %dma_start3A = arith.constant 0 : i32
      %dma_start3A_28 = arith.constant 0 : i32
      %dma_start3A_29 = tpu.memref_slice %arg3[%add3A, %dma_start3A, %dma_start3A_28] : memref<32x125x80xi32, #tpu.memory_space<hbm>> -> memref<1x125x80xi32, #tpu.memory_space<hbm>>
      %dma_start3A_30 = tpu.memref_squeeze %dma_start3A_29 : memref<1x125x80xi32, #tpu.memory_space<hbm>> -> memref<125x80xi32, #tpu.memory_space<hbm>>
      %dma_start3A_31 = arith.constant 0 : i32
      %dma_start3A_32 = arith.constant 0 : i32
      %dma_start3A_33 = tpu.memref_slice %arg3[%add3A, %dma_start3A_31, %dma_start3A_32] : memref<32x125x80xi32, #tpu.memory_space<hbm>> -> memref<1x125x80xi32, #tpu.memory_space<hbm>>
      %dma_start3A_34 = tpu.memref_squeeze %dma_start3A_33 : memref<1x125x80xi32, #tpu.memory_space<hbm>> -> memref<125x80xi32, #tpu.memory_space<hbm>>
      tpu.enqueue_dma source(%dma_start3A_34 : memref<125x80xi32, #tpu.memory_space<hbm>>) target(%arg9 : memref<125x80xi32, #tpu.memory_space<vmem>>) target_semaphore(%run_scoped3A : memref<!tpu.dma_semaphore, #tpu.memory_space<semaphore_mem>>)
      %dma_wait3A = arith.constant 0 : i32
      %dma_wait3A_35 = arith.constant 0 : i32
      %dma_wait3A_36 = tpu.memref_slice %arg3[%add3A, %dma_wait3A, %dma_wait3A_35] : memref<32x125x80xi32, #tpu.memory_space<hbm>> -> memref<1x125x80xi32, #tpu.memory_space<hbm>>
      %dma_wait3A_37 = tpu.memref_squeeze %dma_wait3A_36 : memref<1x125x80xi32, #tpu.memory_space<hbm>> -> memref<125x80xi32, #tpu.memory_space<hbm>>
      %dma_wait3A_38 = arith.constant 0 : i32
      %dma_wait3A_39 = arith.constant 0 : i32
      %dma_wait3A_40 = tpu.memref_slice %arg3[%add3A, %dma_wait3A_38, %dma_wait3A_39] : memref<32x125x80xi32, #tpu.memory_space<hbm>> -> memref<1x125x80xi32, #tpu.memory_space<hbm>>
      %dma_wait3A_41 = tpu.memref_squeeze %dma_wait3A_40 : memref<1x125x80xi32, #tpu.memory_space<hbm>> -> memref<125x80xi32, #tpu.memory_space<hbm>>
      tpu.wait_dma2 semaphore(%run_scoped3A : memref<!tpu.dma_semaphore, #tpu.memory_space<semaphore_mem>>) src(%dma_wait3A_41 : memref<125x80xi32, #tpu.memory_space<hbm>>) dst(%arg9 : memref<125x80xi32, #tpu.memory_space<vmem>>)
      tpu.yield
    }) : () -> ()
    "tpu.region"() ({
      %run_scoped3A = tpu.sem_alloc : memref<!tpu.dma_semaphore, #tpu.memory_space<semaphore_mem>>
      %dma_start3A = arith.constant 0 : i32
      %dma_start3A_28 = arith.constant 0 : i32
      %dma_start3A_29 = tpu.memref_slice %arg4[%add3A, %dma_start3A, %dma_start3A_28] : memref<32x125x80xi32, #tpu.memory_space<hbm>> -> memref<1x125x80xi32, #tpu.memory_space<hbm>>
      %dma_start3A_30 = tpu.memref_squeeze %dma_start3A_29 : memref<1x125x80xi32, #tpu.memory_space<hbm>> -> memref<125x80xi32, #tpu.memory_space<hbm>>
      %dma_start3A_31 = arith.constant 0 : i32
      %dma_start3A_32 = arith.constant 0 : i32
      %dma_start3A_33 = tpu.memref_slice %arg4[%add3A, %dma_start3A_31, %dma_start3A_32] : memref<32x125x80xi32, #tpu.memory_space<hbm>> -> memref<1x125x80xi32, #tpu.memory_space<hbm>>
      %dma_start3A_34 = tpu.memref_squeeze %dma_start3A_33 : memref<1x125x80xi32, #tpu.memory_space<hbm>> -> memref<125x80xi32, #tpu.memory_space<hbm>>
      tpu.enqueue_dma source(%dma_start3A_34 : memref<125x80xi32, #tpu.memory_space<hbm>>) target(%arg10 : memref<125x80xi32, #tpu.memory_space<vmem>>) target_semaphore(%run_scoped3A : memref<!tpu.dma_semaphore, #tpu.memory_space<semaphore_mem>>)
      %dma_wait3A = arith.constant 0 : i32
      %dma_wait3A_35 = arith.constant 0 : i32
      %dma_wait3A_36 = tpu.memref_slice %arg4[%add3A, %dma_wait3A, %dma_wait3A_35] : memref<32x125x80xi32, #tpu.memory_space<hbm>> -> memref<1x125x80xi32, #tpu.memory_space<hbm>>
      %dma_wait3A_37 = tpu.memref_squeeze %dma_wait3A_36 : memref<1x125x80xi32, #tpu.memory_space<hbm>> -> memref<125x80xi32, #tpu.memory_space<hbm>>
      %dma_wait3A_38 = arith.constant 0 : i32
      %dma_wait3A_39 = arith.constant 0 : i32
      %dma_wait3A_40 = tpu.memref_slice %arg4[%add3A, %dma_wait3A_38, %dma_wait3A_39] : memref<32x125x80xi32, #tpu.memory_space<hbm>> -> memref<1x125x80xi32, #tpu.memory_space<hbm>>
      %dma_wait3A_41 = tpu.memref_squeeze %dma_wait3A_40 : memref<1x125x80xi32, #tpu.memory_space<hbm>> -> memref<125x80xi32, #tpu.memory_space<hbm>>
      tpu.wait_dma2 semaphore(%run_scoped3A : memref<!tpu.dma_semaphore, #tpu.memory_space<semaphore_mem>>) src(%dma_wait3A_41 : memref<125x80xi32, #tpu.memory_space<hbm>>) dst(%arg10 : memref<125x80xi32, #tpu.memory_space<vmem>>)
      tpu.yield
    }) : () -> ()
    %barrier3A = arith.constant 0 : index
    tpu.barrier barrier_id(%barrier3A)
    %scan3A_12 = arith.constant 0 : i32
    %scan3A_13 = arith.constant 0 : i32
    %scan3A_14 = arith.constant 125 : i32
    %scan3A_15 = arith.addi %scan3A_13, %scan3A_14 : i32
    %scan3A_16 = arith.constant 1 : i32
    scf.for %scan3A_28 = %scan3A_13 to %scan3A_15 step %scan3A_16  : i32 {
      %dma_start3A = arith.constant 0 : i32
      %dma_start3A_29 = tpu.memref_slice %arg9[%scan3A_28, %dma_start3A] : memref<125x80xi32, #tpu.memory_space<vmem>> -> memref<1x80xi32, #tpu.memory_space<vmem>>
      %dma_start3A_30 = tpu.memref_squeeze %dma_start3A_29 : memref<1x80xi32, #tpu.memory_space<vmem>> -> memref<80xi32, #tpu.memory_space<vmem>>
      %dma_start3A_31 = arith.constant 0 : i32
      %dma_start3A_32 = arith.constant 0 : i32
      %dma_start3A_33 = tpu.memref_slice %arg2[%dma_start3A_31, %dma_start3A_32] : memref<10000x128xf32, #tpu.memory_space<hbm>> -> memref<10000x128xf32, #tpu.memory_space<hbm>>
      tpu.enqueue_indirect_dma source(%dma_start3A_33 : memref<10000x128xf32, #tpu.memory_space<hbm>>) target(%arg11 : memref<80x128xf32, #tpu.memory_space<vmem>>) offsets(%dma_start3A_30 : memref<80xi32, #tpu.memory_space<vmem>>) semaphore(%arg15 : memref<!tpu.dma_semaphore, #tpu.memory_space<semaphore_mem>>)
      %dma_wait3A = arith.constant 0 : i32
      %dma_wait3A_34 = tpu.memref_slice %arg9[%scan3A_28, %dma_wait3A] : memref<125x80xi32, #tpu.memory_space<vmem>> -> memref<1x80xi32, #tpu.memory_space<vmem>>
      %dma_wait3A_35 = tpu.memref_squeeze %dma_wait3A_34 : memref<1x80xi32, #tpu.memory_space<vmem>> -> memref<80xi32, #tpu.memory_space<vmem>>
      %dma_wait3A_36 = arith.constant 0 : i32
      %dma_wait3A_37 = arith.constant 0 : i32
      %dma_wait3A_38 = tpu.memref_slice %arg2[%dma_wait3A_36, %dma_wait3A_37] : memref<10000x128xf32, #tpu.memory_space<hbm>> -> memref<10000x128xf32, #tpu.memory_space<hbm>>
      tpu.wait_indirect_dma semaphore(%arg15 : memref<!tpu.dma_semaphore, #tpu.memory_space<semaphore_mem>>) src(%dma_wait3A_38 : memref<10000x128xf32, #tpu.memory_space<hbm>>) dst(%arg11 : memref<80x128xf32, #tpu.memory_space<vmem>>)
      "tpu.region"() ({
        %run_scoped3A = tpu.sem_alloc : memref<!tpu.dma_semaphore, #tpu.memory_space<semaphore_mem>>
        %dma_start3A_39 = arith.constant 0 : i32
        %dma_start3A_40 = tpu.memref_slice %arg10[%scan3A_28, %dma_start3A_39] : memref<125x80xi32, #tpu.memory_space<vmem>> -> memref<1x80xi32, #tpu.memory_space<vmem>>
        %dma_start3A_41 = tpu.memref_squeeze %dma_start3A_40 : memref<1x80xi32, #tpu.memory_space<vmem>> -> memref<80xi32, #tpu.memory_space<vmem>>
        %dma_start3A_42 = arith.constant 0 : i32
        %dma_start3A_43 = arith.constant 0 : i32
        %dma_start3A_44 = tpu.memref_slice %arg13[%dma_start3A_42, %dma_start3A_43] : memref<10240x128xf32, #tpu.memory_space<vmem_shared>> -> memref<10240x128xf32, #tpu.memory_space<vmem_shared>>
        tpu.enqueue_indirect_dma source(%arg11 : memref<80x128xf32, #tpu.memory_space<vmem>>) target(%dma_start3A_44 : memref<10240x128xf32, #tpu.memory_space<vmem_shared>>) offsets(%dma_start3A_41 : memref<80xi32, #tpu.memory_space<vmem>>) semaphore(%run_scoped3A : memref<!tpu.dma_semaphore, #tpu.memory_space<semaphore_mem>>) {add = true}
        %dma_wait3A_45 = arith.constant 0 : i32
        %dma_wait3A_46 = tpu.memref_slice %arg10[%scan3A_28, %dma_wait3A_45] : memref<125x80xi32, #tpu.memory_space<vmem>> -> memref<1x80xi32, #tpu.memory_space<vmem>>
        %dma_wait3A_47 = tpu.memref_squeeze %dma_wait3A_46 : memref<1x80xi32, #tpu.memory_space<vmem>> -> memref<80xi32, #tpu.memory_space<vmem>>
        %dma_wait3A_48 = arith.constant 0 : i32
        %dma_wait3A_49 = arith.constant 0 : i32
        %dma_wait3A_50 = tpu.memref_slice %arg13[%dma_wait3A_48, %dma_wait3A_49] : memref<10240x128xf32, #tpu.memory_space<vmem_shared>> -> memref<10240x128xf32, #tpu.memory_space<vmem_shared>>
        tpu.wait_indirect_dma semaphore(%run_scoped3A : memref<!tpu.dma_semaphore, #tpu.memory_space<semaphore_mem>>) src(%arg11 : memref<80x128xf32, #tpu.memory_space<vmem>>) dst(%dma_wait3A_50 : memref<10240x128xf32, #tpu.memory_space<vmem_shared>>)
        tpu.yield
      }) : () -> ()
      "tpu.region"() ({
        %run_scoped3A = tpu.sem_alloc : memref<!tpu.dma_semaphore, #tpu.memory_space<semaphore_mem>>
        %dma_start3A_39 = arith.constant 0 : i32
        %dma_start3A_40 = tpu.memref_slice %arg10[%scan3A_28, %dma_start3A_39] : memref<125x80xi32, #tpu.memory_space<vmem>> -> memref<1x80xi32, #tpu.memory_space<vmem>>
        %dma_start3A_41 = tpu.memref_squeeze %dma_start3A_40 : memref<1x80xi32, #tpu.memory_space<vmem>> -> memref<80xi32, #tpu.memory_space<vmem>>
        %dma_start3A_42 = arith.constant 0 : i32
        %dma_start3A_43 = tpu.memref_slice %arg14[%dma_start3A_42] : memref<10240xf32, #tpu.memory_space<vmem_shared>> -> memref<10240xf32, #tpu.memory_space<vmem_shared>>
        tpu.enqueue_indirect_dma source(%arg12 : memref<80xf32, #tpu.memory_space<vmem>>) target(%dma_start3A_43 : memref<10240xf32, #tpu.memory_space<vmem_shared>>) offsets(%dma_start3A_41 : memref<80xi32, #tpu.memory_space<vmem>>) semaphore(%run_scoped3A : memref<!tpu.dma_semaphore, #tpu.memory_space<semaphore_mem>>) {add = true}
        %dma_wait3A_44 = arith.constant 0 : i32
        %dma_wait3A_45 = tpu.memref_slice %arg10[%scan3A_28, %dma_wait3A_44] : memref<125x80xi32, #tpu.memory_space<vmem>> -> memref<1x80xi32, #tpu.memory_space<vmem>>
        %dma_wait3A_46 = tpu.memref_squeeze %dma_wait3A_45 : memref<1x80xi32, #tpu.memory_space<vmem>> -> memref<80xi32, #tpu.memory_space<vmem>>
        %dma_wait3A_47 = arith.constant 0 : i32
        %dma_wait3A_48 = tpu.memref_slice %arg14[%dma_wait3A_47] : memref<10240xf32, #tpu.memory_space<vmem_shared>> -> memref<10240xf32, #tpu.memory_space<vmem_shared>>
        tpu.wait_indirect_dma semaphore(%run_scoped3A : memref<!tpu.dma_semaphore, #tpu.memory_space<semaphore_mem>>) src(%arg12 : memref<80xf32, #tpu.memory_space<vmem>>) dst(%dma_wait3A_48 : memref<10240xf32, #tpu.memory_space<vmem_shared>>)
        tpu.yield
      }) : () -> ()
    }
    %scan3A_17 = arith.constant 125 : i32
    %barrier3A_18 = arith.constant 0 : index
    tpu.barrier barrier_id(%barrier3A_18)
    %mul3A_19 = arith.constant 640 : i32
    %mul3A_20 = arith.muli %arg1, %mul3A_19 : i32
    %mul3A_21 = arith.constant 640 : i32
    %mul3A_22 = arith.muli %arg1, %mul3A_21 : i32
    "tpu.region"() ({
      %run_scoped3A = tpu.sem_alloc : memref<!tpu.dma_semaphore, #tpu.memory_space<semaphore_mem>>
      %dma_start3A = arith.constant 0 : i32
      %dma_start3A_28 = tpu.memref_slice %arg7[%arg0, %mul3A_22, %dma_start3A] : memref<2x10240x128xf32, #tpu.memory_space<hbm>> -> memref<1x640x128xf32, #tpu.memory_space<hbm>>
      %dma_start3A_29 = tpu.memref_squeeze %dma_start3A_28 : memref<1x640x128xf32, #tpu.memory_space<hbm>> -> memref<640x128xf32, #tpu.memory_space<hbm>>
      %dma_start3A_30 = arith.constant 0 : i32
      %dma_start3A_31 = tpu.memref_slice %arg13[%mul3A_20, %dma_start3A_30] : memref<10240x128xf32, #tpu.memory_space<vmem_shared>> -> memref<640x128xf32, #tpu.memory_space<vmem_shared>>
      tpu.enqueue_dma source(%dma_start3A_31 : memref<640x128xf32, #tpu.memory_space<vmem_shared>>) target(%dma_start3A_29 : memref<640x128xf32, #tpu.memory_space<hbm>>) target_semaphore(%run_scoped3A : memref<!tpu.dma_semaphore, #tpu.memory_space<semaphore_mem>>)
      %dma_wait3A = arith.constant 0 : i32
      %dma_wait3A_32 = tpu.memref_slice %arg7[%arg0, %mul3A_22, %dma_wait3A] : memref<2x10240x128xf32, #tpu.memory_space<hbm>> -> memref<1x640x128xf32, #tpu.memory_space<hbm>>
      %dma_wait3A_33 = tpu.memref_squeeze %dma_wait3A_32 : memref<1x640x128xf32, #tpu.memory_space<hbm>> -> memref<640x128xf32, #tpu.memory_space<hbm>>
      %dma_wait3A_34 = arith.constant 0 : i32
      %dma_wait3A_35 = tpu.memref_slice %arg13[%mul3A_20, %dma_wait3A_34] : memref<10240x128xf32, #tpu.memory_space<vmem_shared>> -> memref<640x128xf32, #tpu.memory_space<vmem_shared>>
      tpu.wait_dma2 semaphore(%run_scoped3A : memref<!tpu.dma_semaphore, #tpu.memory_space<semaphore_mem>>) src(%dma_wait3A_35 : memref<640x128xf32, #tpu.memory_space<vmem_shared>>) dst(%dma_wait3A_33 : memref<640x128xf32, #tpu.memory_space<hbm>>)
      tpu.yield
    }) : () -> ()
    %eq3A_23 = arith.constant 0 : i32
    %eq3A_24 = arith.cmpi eq, %arg1, %eq3A_23 : i32
    %convert_element_type3A_25 = arith.extui %eq3A_24 : i1 to i32
    %cond3A_26 = arith.constant 0 : i32
    %cond3A_27 = arith.cmpi ne, %convert_element_type3A_25, %cond3A_26 : i32
    scf.if %cond3A_27 {
      "tpu.region"() ({
        %run_scoped3A = tpu.sem_alloc : memref<!tpu.dma_semaphore, #tpu.memory_space<semaphore_mem>>
        %dma_start3A = arith.constant 0 : i32
        %dma_start3A_28 = tpu.memref_slice %arg8[%arg0, %dma_start3A] : memref<2x10240xf32, #tpu.memory_space<hbm>> -> memref<1x10240xf32, #tpu.memory_space<hbm>>
        %dma_start3A_29 = tpu.memref_squeeze %dma_start3A_28 : memref<1x10240xf32, #tpu.memory_space<hbm>> -> memref<10240xf32, #tpu.memory_space<hbm>>
        tpu.enqueue_dma source(%arg14 : memref<10240xf32, #tpu.memory_space<vmem_shared>>) target(%dma_start3A_29 : memref<10240xf32, #tpu.memory_space<hbm>>) target_semaphore(%run_scoped3A : memref<!tpu.dma_semaphore, #tpu.memory_space<semaphore_mem>>)
        %dma_wait3A = arith.constant 0 : i32
        %dma_wait3A_30 = tpu.memref_slice %arg8[%arg0, %dma_wait3A] : memref<2x10240xf32, #tpu.memory_space<hbm>> -> memref<1x10240xf32, #tpu.memory_space<hbm>>
        %dma_wait3A_31 = tpu.memref_squeeze %dma_wait3A_30 : memref<1x10240xf32, #tpu.memory_space<hbm>> -> memref<10240xf32, #tpu.memory_space<hbm>>
        tpu.wait_dma2 semaphore(%run_scoped3A : memref<!tpu.dma_semaphore, #tpu.memory_space<semaphore_mem>>) src(%arg14 : memref<10240xf32, #tpu.memory_space<vmem_shared>>) dst(%dma_wait3A_31 : memref<10240xf32, #tpu.memory_space<hbm>>)
        tpu.yield
      }) : () -> ()
    } else {
    }
    return
  }
}

#map = affine_map<(d0, d1) -> (0, 0)>
#map1 = affine_map<(d0, d1) -> (0, 0, 0)>
#map2 = affine_map<(d0, d1) -> (0)>
module attributes {stable_mosaic.version = 14 : i64} {
  func.func @seg(%arg0: i32, %arg1: i32, %arg2: memref<10000x128xf32, #tpu.memory_space<hbm>>, %arg3: memref<32x125x80xi32, #tpu.memory_space<hbm>>, %arg4: memref<32x125x80xi32, #tpu.memory_space<hbm>>, %arg5: memref<10240x128xf32, #tpu.memory_space<hbm>>, %arg6: memref<10240xf32, #tpu.memory_space<hbm>>, %arg7: memref<2x10240x128xf32, #tpu.memory_space<hbm>>, %arg8: memref<125x80xi32, #tpu.memory_space<vmem>>, %arg9: memref<125x80xi32, #tpu.memory_space<vmem>>, %arg10: memref<80x128xf32, #tpu.memory_space<vmem>>, %arg11: memref<80xf32, #tpu.memory_space<vmem>>, %arg12: memref<10240x128xf32, #tpu.memory_space<vmem_shared>>, %arg13: memref<10240xf32, #tpu.memory_space<vmem_shared>>, %arg14: memref<!tpu.dma_semaphore, #tpu.memory_space<semaphore_mem>>) attributes {dimension_semantics = [#tpu.dimension_semantics<core_parallel>, #tpu.dimension_semantics<subcore_parallel>], iteration_bounds = array<i64: 2, 16>, scalar_prefetch = 0 : i64, scratch_operands = 7 : i64, tpu.core_type = #tpu.core_type<sc_vector_subcore>, window_params = [{transform_indices = #map}, {transform_indices = #map1}, {transform_indices = #map1}, {transform_indices = #map}, {transform_indices = #map2}, {transform_indices = #map1}]} {
    %mul3A = arith.constant 16 : i32
    %mul3A_0 = arith.muli %arg0, %mul3A : i32
    %add3A = arith.addi %mul3A_0, %arg1 : i32
    %mul3A_1 = arith.constant 640 : i32
    %mul3A_2 = arith.muli %arg1, %mul3A_1 : i32
    %mul3A_3 = arith.constant 640 : i32
    %mul3A_4 = arith.muli %arg1, %mul3A_3 : i32
    "tpu.region"() ({
      %run_scoped3A = tpu.sem_alloc : memref<!tpu.dma_semaphore, #tpu.memory_space<semaphore_mem>>
      %dma_start3A = arith.constant 0 : i32
      %dma_start3A_15 = tpu.memref_slice %arg12[%mul3A_4, %dma_start3A] : memref<10240x128xf32, #tpu.memory_space<vmem_shared>> -> memref<640x128xf32, #tpu.memory_space<vmem_shared>>
      %dma_start3A_16 = arith.constant 0 : i32
      %dma_start3A_17 = tpu.memref_slice %arg5[%mul3A_2, %dma_start3A_16] : memref<10240x128xf32, #tpu.memory_space<hbm>> -> memref<640x128xf32, #tpu.memory_space<hbm>>
      tpu.enqueue_dma source(%dma_start3A_17 : memref<640x128xf32, #tpu.memory_space<hbm>>) target(%dma_start3A_15 : memref<640x128xf32, #tpu.memory_space<vmem_shared>>) target_semaphore(%run_scoped3A : memref<!tpu.dma_semaphore, #tpu.memory_space<semaphore_mem>>)
      %dma_wait3A = arith.constant 0 : i32
      %dma_wait3A_18 = tpu.memref_slice %arg12[%mul3A_4, %dma_wait3A] : memref<10240x128xf32, #tpu.memory_space<vmem_shared>> -> memref<640x128xf32, #tpu.memory_space<vmem_shared>>
      %dma_wait3A_19 = arith.constant 0 : i32
      %dma_wait3A_20 = tpu.memref_slice %arg5[%mul3A_2, %dma_wait3A_19] : memref<10240x128xf32, #tpu.memory_space<hbm>> -> memref<640x128xf32, #tpu.memory_space<hbm>>
      tpu.wait_dma2 semaphore(%run_scoped3A : memref<!tpu.dma_semaphore, #tpu.memory_space<semaphore_mem>>) src(%dma_wait3A_20 : memref<640x128xf32, #tpu.memory_space<hbm>>) dst(%dma_wait3A_18 : memref<640x128xf32, #tpu.memory_space<vmem_shared>>)
      tpu.yield
    }) : () -> ()
    "tpu.region"() ({
      %run_scoped3A = tpu.sem_alloc : memref<!tpu.dma_semaphore, #tpu.memory_space<semaphore_mem>>
      %dma_start3A = arith.constant 0 : i32
      %dma_start3A_15 = arith.constant 0 : i32
      %dma_start3A_16 = tpu.memref_slice %arg3[%add3A, %dma_start3A, %dma_start3A_15] : memref<32x125x80xi32, #tpu.memory_space<hbm>> -> memref<1x125x80xi32, #tpu.memory_space<hbm>>
      %dma_start3A_17 = tpu.memref_squeeze %dma_start3A_16 : memref<1x125x80xi32, #tpu.memory_space<hbm>> -> memref<125x80xi32, #tpu.memory_space<hbm>>
      %dma_start3A_18 = arith.constant 0 : i32
      %dma_start3A_19 = arith.constant 0 : i32
      %dma_start3A_20 = tpu.memref_slice %arg3[%add3A, %dma_start3A_18, %dma_start3A_19] : memref<32x125x80xi32, #tpu.memory_space<hbm>> -> memref<1x125x80xi32, #tpu.memory_space<hbm>>
      %dma_start3A_21 = tpu.memref_squeeze %dma_start3A_20 : memref<1x125x80xi32, #tpu.memory_space<hbm>> -> memref<125x80xi32, #tpu.memory_space<hbm>>
      tpu.enqueue_dma source(%dma_start3A_21 : memref<125x80xi32, #tpu.memory_space<hbm>>) target(%arg8 : memref<125x80xi32, #tpu.memory_space<vmem>>) target_semaphore(%run_scoped3A : memref<!tpu.dma_semaphore, #tpu.memory_space<semaphore_mem>>)
      %dma_wait3A = arith.constant 0 : i32
      %dma_wait3A_22 = arith.constant 0 : i32
      %dma_wait3A_23 = tpu.memref_slice %arg3[%add3A, %dma_wait3A, %dma_wait3A_22] : memref<32x125x80xi32, #tpu.memory_space<hbm>> -> memref<1x125x80xi32, #tpu.memory_space<hbm>>
      %dma_wait3A_24 = tpu.memref_squeeze %dma_wait3A_23 : memref<1x125x80xi32, #tpu.memory_space<hbm>> -> memref<125x80xi32, #tpu.memory_space<hbm>>
      %dma_wait3A_25 = arith.constant 0 : i32
      %dma_wait3A_26 = arith.constant 0 : i32
      %dma_wait3A_27 = tpu.memref_slice %arg3[%add3A, %dma_wait3A_25, %dma_wait3A_26] : memref<32x125x80xi32, #tpu.memory_space<hbm>> -> memref<1x125x80xi32, #tpu.memory_space<hbm>>
      %dma_wait3A_28 = tpu.memref_squeeze %dma_wait3A_27 : memref<1x125x80xi32, #tpu.memory_space<hbm>> -> memref<125x80xi32, #tpu.memory_space<hbm>>
      tpu.wait_dma2 semaphore(%run_scoped3A : memref<!tpu.dma_semaphore, #tpu.memory_space<semaphore_mem>>) src(%dma_wait3A_28 : memref<125x80xi32, #tpu.memory_space<hbm>>) dst(%arg8 : memref<125x80xi32, #tpu.memory_space<vmem>>)
      tpu.yield
    }) : () -> ()
    "tpu.region"() ({
      %run_scoped3A = tpu.sem_alloc : memref<!tpu.dma_semaphore, #tpu.memory_space<semaphore_mem>>
      %dma_start3A = arith.constant 0 : i32
      %dma_start3A_15 = arith.constant 0 : i32
      %dma_start3A_16 = tpu.memref_slice %arg4[%add3A, %dma_start3A, %dma_start3A_15] : memref<32x125x80xi32, #tpu.memory_space<hbm>> -> memref<1x125x80xi32, #tpu.memory_space<hbm>>
      %dma_start3A_17 = tpu.memref_squeeze %dma_start3A_16 : memref<1x125x80xi32, #tpu.memory_space<hbm>> -> memref<125x80xi32, #tpu.memory_space<hbm>>
      %dma_start3A_18 = arith.constant 0 : i32
      %dma_start3A_19 = arith.constant 0 : i32
      %dma_start3A_20 = tpu.memref_slice %arg4[%add3A, %dma_start3A_18, %dma_start3A_19] : memref<32x125x80xi32, #tpu.memory_space<hbm>> -> memref<1x125x80xi32, #tpu.memory_space<hbm>>
      %dma_start3A_21 = tpu.memref_squeeze %dma_start3A_20 : memref<1x125x80xi32, #tpu.memory_space<hbm>> -> memref<125x80xi32, #tpu.memory_space<hbm>>
      tpu.enqueue_dma source(%dma_start3A_21 : memref<125x80xi32, #tpu.memory_space<hbm>>) target(%arg9 : memref<125x80xi32, #tpu.memory_space<vmem>>) target_semaphore(%run_scoped3A : memref<!tpu.dma_semaphore, #tpu.memory_space<semaphore_mem>>)
      %dma_wait3A = arith.constant 0 : i32
      %dma_wait3A_22 = arith.constant 0 : i32
      %dma_wait3A_23 = tpu.memref_slice %arg4[%add3A, %dma_wait3A, %dma_wait3A_22] : memref<32x125x80xi32, #tpu.memory_space<hbm>> -> memref<1x125x80xi32, #tpu.memory_space<hbm>>
      %dma_wait3A_24 = tpu.memref_squeeze %dma_wait3A_23 : memref<1x125x80xi32, #tpu.memory_space<hbm>> -> memref<125x80xi32, #tpu.memory_space<hbm>>
      %dma_wait3A_25 = arith.constant 0 : i32
      %dma_wait3A_26 = arith.constant 0 : i32
      %dma_wait3A_27 = tpu.memref_slice %arg4[%add3A, %dma_wait3A_25, %dma_wait3A_26] : memref<32x125x80xi32, #tpu.memory_space<hbm>> -> memref<1x125x80xi32, #tpu.memory_space<hbm>>
      %dma_wait3A_28 = tpu.memref_squeeze %dma_wait3A_27 : memref<1x125x80xi32, #tpu.memory_space<hbm>> -> memref<125x80xi32, #tpu.memory_space<hbm>>
      tpu.wait_dma2 semaphore(%run_scoped3A : memref<!tpu.dma_semaphore, #tpu.memory_space<semaphore_mem>>) src(%dma_wait3A_28 : memref<125x80xi32, #tpu.memory_space<hbm>>) dst(%arg9 : memref<125x80xi32, #tpu.memory_space<vmem>>)
      tpu.yield
    }) : () -> ()
    %barrier3A = arith.constant 0 : index
    tpu.barrier barrier_id(%barrier3A)
    %scan3A = arith.constant 0 : i32
    %scan3A_5 = arith.constant 0 : i32
    %scan3A_6 = arith.constant 125 : i32
    %scan3A_7 = arith.addi %scan3A_5, %scan3A_6 : i32
    %scan3A_8 = arith.constant 1 : i32
    scf.for %scan3A_15 = %scan3A_5 to %scan3A_7 step %scan3A_8  : i32 {
      %dma_start3A = arith.constant 0 : i32
      %dma_start3A_16 = tpu.memref_slice %arg8[%scan3A_15, %dma_start3A] : memref<125x80xi32, #tpu.memory_space<vmem>> -> memref<1x80xi32, #tpu.memory_space<vmem>>
      %dma_start3A_17 = tpu.memref_squeeze %dma_start3A_16 : memref<1x80xi32, #tpu.memory_space<vmem>> -> memref<80xi32, #tpu.memory_space<vmem>>
      %dma_start3A_18 = arith.constant 0 : i32
      %dma_start3A_19 = arith.constant 0 : i32
      %dma_start3A_20 = tpu.memref_slice %arg2[%dma_start3A_18, %dma_start3A_19] : memref<10000x128xf32, #tpu.memory_space<hbm>> -> memref<10000x128xf32, #tpu.memory_space<hbm>>
      tpu.enqueue_indirect_dma source(%dma_start3A_20 : memref<10000x128xf32, #tpu.memory_space<hbm>>) target(%arg10 : memref<80x128xf32, #tpu.memory_space<vmem>>) offsets(%dma_start3A_17 : memref<80xi32, #tpu.memory_space<vmem>>) semaphore(%arg14 : memref<!tpu.dma_semaphore, #tpu.memory_space<semaphore_mem>>)
      %dma_wait3A = arith.constant 0 : i32
      %dma_wait3A_21 = tpu.memref_slice %arg8[%scan3A_15, %dma_wait3A] : memref<125x80xi32, #tpu.memory_space<vmem>> -> memref<1x80xi32, #tpu.memory_space<vmem>>
      %dma_wait3A_22 = tpu.memref_squeeze %dma_wait3A_21 : memref<1x80xi32, #tpu.memory_space<vmem>> -> memref<80xi32, #tpu.memory_space<vmem>>
      %dma_wait3A_23 = arith.constant 0 : i32
      %dma_wait3A_24 = arith.constant 0 : i32
      %dma_wait3A_25 = tpu.memref_slice %arg2[%dma_wait3A_23, %dma_wait3A_24] : memref<10000x128xf32, #tpu.memory_space<hbm>> -> memref<10000x128xf32, #tpu.memory_space<hbm>>
      tpu.wait_indirect_dma semaphore(%arg14 : memref<!tpu.dma_semaphore, #tpu.memory_space<semaphore_mem>>) src(%dma_wait3A_25 : memref<10000x128xf32, #tpu.memory_space<hbm>>) dst(%arg10 : memref<80x128xf32, #tpu.memory_space<vmem>>)
      "tpu.region"() ({
        %run_scoped3A = tpu.sem_alloc : memref<!tpu.dma_semaphore, #tpu.memory_space<semaphore_mem>>
        %dma_start3A_26 = arith.constant 0 : i32
        %dma_start3A_27 = tpu.memref_slice %arg9[%scan3A_15, %dma_start3A_26] : memref<125x80xi32, #tpu.memory_space<vmem>> -> memref<1x80xi32, #tpu.memory_space<vmem>>
        %dma_start3A_28 = tpu.memref_squeeze %dma_start3A_27 : memref<1x80xi32, #tpu.memory_space<vmem>> -> memref<80xi32, #tpu.memory_space<vmem>>
        %dma_start3A_29 = arith.constant 0 : i32
        %dma_start3A_30 = arith.constant 0 : i32
        %dma_start3A_31 = tpu.memref_slice %arg12[%dma_start3A_29, %dma_start3A_30] : memref<10240x128xf32, #tpu.memory_space<vmem_shared>> -> memref<10240x128xf32, #tpu.memory_space<vmem_shared>>
        tpu.enqueue_indirect_dma source(%arg10 : memref<80x128xf32, #tpu.memory_space<vmem>>) target(%dma_start3A_31 : memref<10240x128xf32, #tpu.memory_space<vmem_shared>>) offsets(%dma_start3A_28 : memref<80xi32, #tpu.memory_space<vmem>>) semaphore(%run_scoped3A : memref<!tpu.dma_semaphore, #tpu.memory_space<semaphore_mem>>) {add = true}
        %dma_wait3A_32 = arith.constant 0 : i32
        %dma_wait3A_33 = tpu.memref_slice %arg9[%scan3A_15, %dma_wait3A_32] : memref<125x80xi32, #tpu.memory_space<vmem>> -> memref<1x80xi32, #tpu.memory_space<vmem>>
        %dma_wait3A_34 = tpu.memref_squeeze %dma_wait3A_33 : memref<1x80xi32, #tpu.memory_space<vmem>> -> memref<80xi32, #tpu.memory_space<vmem>>
        %dma_wait3A_35 = arith.constant 0 : i32
        %dma_wait3A_36 = arith.constant 0 : i32
        %dma_wait3A_37 = tpu.memref_slice %arg12[%dma_wait3A_35, %dma_wait3A_36] : memref<10240x128xf32, #tpu.memory_space<vmem_shared>> -> memref<10240x128xf32, #tpu.memory_space<vmem_shared>>
        tpu.wait_indirect_dma semaphore(%run_scoped3A : memref<!tpu.dma_semaphore, #tpu.memory_space<semaphore_mem>>) src(%arg10 : memref<80x128xf32, #tpu.memory_space<vmem>>) dst(%dma_wait3A_37 : memref<10240x128xf32, #tpu.memory_space<vmem_shared>>)
        tpu.yield
      }) : () -> ()
    }
    %scan3A_9 = arith.constant 125 : i32
    %barrier3A_10 = arith.constant 0 : index
    tpu.barrier barrier_id(%barrier3A_10)
    %mul3A_11 = arith.constant 640 : i32
    %mul3A_12 = arith.muli %arg1, %mul3A_11 : i32
    %mul3A_13 = arith.constant 640 : i32
    %mul3A_14 = arith.muli %arg1, %mul3A_13 : i32
    "tpu.region"() ({
      %run_scoped3A = tpu.sem_alloc : memref<!tpu.dma_semaphore, #tpu.memory_space<semaphore_mem>>
      %dma_start3A = arith.constant 0 : i32
      %dma_start3A_15 = tpu.memref_slice %arg7[%arg0, %mul3A_14, %dma_start3A] : memref<2x10240x128xf32, #tpu.memory_space<hbm>> -> memref<1x640x128xf32, #tpu.memory_space<hbm>>
      %dma_start3A_16 = tpu.memref_squeeze %dma_start3A_15 : memref<1x640x128xf32, #tpu.memory_space<hbm>> -> memref<640x128xf32, #tpu.memory_space<hbm>>
      %dma_start3A_17 = arith.constant 0 : i32
      %dma_start3A_18 = tpu.memref_slice %arg12[%mul3A_12, %dma_start3A_17] : memref<10240x128xf32, #tpu.memory_space<vmem_shared>> -> memref<640x128xf32, #tpu.memory_space<vmem_shared>>
      tpu.enqueue_dma source(%dma_start3A_18 : memref<640x128xf32, #tpu.memory_space<vmem_shared>>) target(%dma_start3A_16 : memref<640x128xf32, #tpu.memory_space<hbm>>) target_semaphore(%run_scoped3A : memref<!tpu.dma_semaphore, #tpu.memory_space<semaphore_mem>>)
      %dma_wait3A = arith.constant 0 : i32
      %dma_wait3A_19 = tpu.memref_slice %arg7[%arg0, %mul3A_14, %dma_wait3A] : memref<2x10240x128xf32, #tpu.memory_space<hbm>> -> memref<1x640x128xf32, #tpu.memory_space<hbm>>
      %dma_wait3A_20 = tpu.memref_squeeze %dma_wait3A_19 : memref<1x640x128xf32, #tpu.memory_space<hbm>> -> memref<640x128xf32, #tpu.memory_space<hbm>>
      %dma_wait3A_21 = arith.constant 0 : i32
      %dma_wait3A_22 = tpu.memref_slice %arg12[%mul3A_12, %dma_wait3A_21] : memref<10240x128xf32, #tpu.memory_space<vmem_shared>> -> memref<640x128xf32, #tpu.memory_space<vmem_shared>>
      tpu.wait_dma2 semaphore(%run_scoped3A : memref<!tpu.dma_semaphore, #tpu.memory_space<semaphore_mem>>) src(%dma_wait3A_22 : memref<640x128xf32, #tpu.memory_space<vmem_shared>>) dst(%dma_wait3A_20 : memref<640x128xf32, #tpu.memory_space<hbm>>)
      tpu.yield
    }) : () -> ()
    return
  }
}

module attributes {stable_mosaic.version = 14 : i64} {
  func.func @_lin_body(%arg0: i32, %arg1: memref<1000x128xf32, #tpu.memory_space<vmem>>, %arg2: memref<128x128xf32, #tpu.memory_space<vmem>>, %arg3: memref<1x128xf32, #tpu.memory_space<vmem>>, %arg4: memref<1000x128xf32, #tpu.memory_space<vmem>>) attributes {dimension_semantics = [#tpu.dimension_semantics<arbitrary>], iteration_bounds = array<i64: 10>, scalar_prefetch = 0 : i64, scratch_operands = 0 : i64, tpu.core_type = #tpu.core_type<tc>, window_params = [{transform_indices = @transform_0, window_bounds = array<i64: 1000, 128>}, {pipeline_mode = #tpu.pipeline_mode<synchronous>, transform_indices = @transform_1, window_bounds = array<i64: 128, 128>}, {pipeline_mode = #tpu.pipeline_mode<synchronous>, transform_indices = @transform_2, window_bounds = array<i64: 1, 128>}, {transform_indices = @transform_3, window_bounds = array<i64: 1000, 128>}]} {
    %get3A = arith.constant 0 : index
    %get3A_0 = arith.constant 0 : index
    %get3A_1 = vector.load %arg1[%get3A, %get3A_0] : memref<1000x128xf32, #tpu.memory_space<vmem>>, vector<1000x128xf32>
    %get3A_2 = arith.constant 0 : index
    %get3A_3 = arith.constant 0 : index
    %get3A_4 = vector.load %arg2[%get3A_2, %get3A_3] : memref<128x128xf32, #tpu.memory_space<vmem>>, vector<128x128xf32>
    %dot_general3A = arith.constant dense<0.000000e+00> : vector<1000x128xf32>
    %dot_general3A_5 = tpu.matmul %get3A_1, %get3A_4, %dot_general3A {dimension_numbers = #tpu.dot_dimension_numbers<[1], [1], [0], [0], [0, 0, 1, 0], [], []>, transpose_lhs_hint = false} : vector<1000x128xf32>, vector<128x128xf32>, vector<1000x128xf32> -> vector<1000x128xf32>
    %get3A_6 = arith.constant 0 : index
    %get3A_7 = arith.constant 0 : index
    %get3A_8 = vector.load %arg3[%get3A_6, %get3A_7] : memref<1x128xf32, #tpu.memory_space<vmem>>, vector<1x128xf32>
    %add3A = vector.broadcast %get3A_8 : vector<1x128xf32> to vector<1000x128xf32>
    %add3A_9 = arith.addf %dot_general3A_5, %add3A : vector<1000x128xf32>
    %swap3A = arith.constant 0 : index
    %swap3A_10 = arith.constant 0 : index
    %swap3A_11 = vector.load %arg4[%swap3A, %swap3A_10] : memref<1000x128xf32, #tpu.memory_space<vmem>>, vector<1000x128xf32>
    tpu.vector_store %arg4[%swap3A, %swap3A_10], %add3A_9 {strides = array<i32>} : memref<1000x128xf32, #tpu.memory_space<vmem>>, vector<1000x128xf32>,
    return
  }
  func.func @transform_0(%arg0: i32) -> (i32, i32) {
    %c0_i32 = arith.constant 0 : i32
    %c0_i32_0 = arith.constant 0 : i32
    return %arg0, %c0_i32 : i32, i32
  }
  func.func @transform_1(%arg0: i32) -> (i32, i32) {
    %c0_i32 = arith.constant 0 : i32
    %c0_i32_0 = arith.constant 0 : i32
    %c0_i32_1 = arith.constant 0 : i32
    return %c0_i32, %c0_i32_0 : i32, i32
  }
  func.func @transform_2(%arg0: i32) -> (i32, i32) {
    %c0_i32 = arith.constant 0 : i32
    %c0_i32_0 = arith.constant 0 : i32
    %c0_i32_1 = arith.constant 0 : i32
    return %c0_i32, %c0_i32_0 : i32, i32
  }
  func.func @transform_3(%arg0: i32) -> (i32, i32) {
    %c0_i32 = arith.constant 0 : i32
    %c0_i32_0 = arith.constant 0 : i32
    return %arg0, %c0_i32 : i32, i32
  }
}

module attributes {stable_mosaic.version = 14 : i64} {
  func.func @_layer1_body(%arg0: i32, %arg1: memref<1000x128xf32, #tpu.memory_space<vmem>>, %arg2: memref<2x1000x128xf32, #tpu.memory_space<vmem>>, %arg3: memref<2x1000x1xf32, #tpu.memory_space<vmem>>, %arg4: memref<128x128xf32, #tpu.memory_space<vmem>>, %arg5: memref<1000x128xf32, #tpu.memory_space<vmem>>) attributes {dimension_semantics = [#tpu.dimension_semantics<arbitrary>], iteration_bounds = array<i64: 10>, scalar_prefetch = 0 : i64, scratch_operands = 0 : i64, tpu.core_type = #tpu.core_type<tc>, window_params = [{transform_indices = @transform_0, window_bounds = array<i64: 1000, 128>}, {transform_indices = @transform_1, window_bounds = array<i64: 2, 1000, 128>}, {transform_indices = @transform_2, window_bounds = array<i64: 2, 1000, 1>}, {pipeline_mode = #tpu.pipeline_mode<synchronous>, transform_indices = @transform_3, window_bounds = array<i64: 128, 128>}, {transform_indices = @transform_4, window_bounds = array<i64: 1000, 128>}]} {
    %get3A = arith.constant 0 : index
    %get3A_0 = arith.constant 0 : index
    %get3A_1 = vector.load %arg1[%get3A, %get3A_0] : memref<1000x128xf32, #tpu.memory_space<vmem>>, vector<1000x128xf32>
    %get3A_2 = arith.constant 0 : index
    %get3A_3 = arith.constant 0 : index
    %get3A_4 = arith.constant 0 : index
    %get3A_5 = vector.load %arg2[%get3A_2, %get3A_3, %get3A_4] : memref<2x1000x128xf32, #tpu.memory_space<vmem>>, vector<1x1000x128xf32>
    %get3A_6 = vector.shape_cast %get3A_5 : vector<1x1000x128xf32> to vector<1000x128xf32>
    %get3A_7 = arith.constant 1 : index
    %get3A_8 = arith.constant 0 : index
    %get3A_9 = arith.constant 0 : index
    %get3A_10 = vector.load %arg2[%get3A_7, %get3A_8, %get3A_9] : memref<2x1000x128xf32, #tpu.memory_space<vmem>>, vector<1x1000x128xf32>
    %get3A_11 = vector.shape_cast %get3A_10 : vector<1x1000x128xf32> to vector<1000x128xf32>
    %add3A = arith.addf %get3A_6, %get3A_11 : vector<1000x128xf32>
    %get3A_12 = arith.constant 0 : index
    %get3A_13 = arith.constant 0 : index
    %get3A_14 = arith.constant 0 : index
    %get3A_15 = vector.load %arg3[%get3A_12, %get3A_13, %get3A_14] : memref<2x1000x1xf32, #tpu.memory_space<vmem>>, vector<1x1000x1xf32>
    %get3A_16 = vector.shape_cast %get3A_15 : vector<1x1000x1xf32> to vector<1000x1xf32>
    %get3A_17 = arith.constant 1 : index
    %get3A_18 = arith.constant 0 : index
    %get3A_19 = arith.constant 0 : index
    %get3A_20 = vector.load %arg3[%get3A_17, %get3A_18, %get3A_19] : memref<2x1000x1xf32, #tpu.memory_space<vmem>>, vector<1x1000x1xf32>
    %get3A_21 = vector.shape_cast %get3A_20 : vector<1x1000x1xf32> to vector<1000x1xf32>
    %add3A_22 = arith.addf %get3A_16, %get3A_21 : vector<1000x1xf32>
    %max3A = arith.constant 1.000000e+00 : f32
    %max3A_23 = vector.broadcast %max3A : f32 to vector<1000x1xf32>
    %max3A_24 = arith.maximumf %add3A_22, %max3A_23 : vector<1000x1xf32>
    %div3A = vector.broadcast %max3A_24 : vector<1000x1xf32> to vector<1000x128xf32>
    %div3A_25 = arith.divf %add3A, %div3A : vector<1000x128xf32>
    %get3A_26 = arith.constant 0 : index
    %get3A_27 = arith.constant 0 : index
    %get3A_28 = vector.load %arg4[%get3A_26, %get3A_27] : memref<128x128xf32, #tpu.memory_space<vmem>>, vector<128x128xf32>
    %dot_general3A = arith.constant dense<0.000000e+00> : vector<1000x128xf32>
    %dot_general3A_29 = tpu.matmul %div3A_25, %get3A_28, %dot_general3A {dimension_numbers = #tpu.dot_dimension_numbers<[1], [1], [0], [0], [0, 0, 1, 0], [], []>, transpose_lhs_hint = false} : vector<1000x128xf32>, vector<128x128xf32>, vector<1000x128xf32> -> vector<1000x128xf32>
    %add3A_30 = arith.addf %get3A_1, %dot_general3A_29 : vector<1000x128xf32>
    %mul3A = arith.mulf %add3A_30, %add3A_30 : vector<1000x128xf32>
    %reduce_sum3A = arith.constant dense<0.000000e+00> : vector<1000xf32>
    %reduce_sum3A_31 = vector.multi_reduction <add>, %mul3A, %reduce_sum3A [1] : vector<1000x128xf32> to vector<1000xf32>
    %broadcast_in_dim3A = vector.shape_cast %reduce_sum3A_31 : vector<1000xf32> to vector<1000x1xf32>
    %sqrt3A = math.sqrt %broadcast_in_dim3A : vector<1000x1xf32>
    %max3A_32 = arith.constant 9.99999996E-13 : f32
    %max3A_33 = vector.broadcast %max3A_32 : f32 to vector<1000x1xf32>
    %max3A_34 = arith.maximumf %sqrt3A, %max3A_33 : vector<1000x1xf32>
    %div3A_35 = vector.broadcast %max3A_34 : vector<1000x1xf32> to vector<1000x128xf32>
    %div3A_36 = arith.divf %add3A_30, %div3A_35 : vector<1000x128xf32>
    %max3A_37 = arith.constant 0.000000e+00 : f32
    %max3A_38 = vector.broadcast %max3A_37 : f32 to vector<1000x128xf32>
    %max3A_39 = arith.maximumf %div3A_36, %max3A_38 : vector<1000x128xf32>
    %swap3A = arith.constant 0 : index
    %swap3A_40 = arith.constant 0 : index
    %swap3A_41 = vector.load %arg5[%swap3A, %swap3A_40] : memref<1000x128xf32, #tpu.memory_space<vmem>>, vector<1000x128xf32>
    tpu.vector_store %arg5[%swap3A, %swap3A_40], %max3A_39 {strides = array<i32>} : memref<1000x128xf32, #tpu.memory_space<vmem>>, vector<1000x128xf32>,
    return
  }
  func.func @transform_0(%arg0: i32) -> (i32, i32) {
    %c0_i32 = arith.constant 0 : i32
    %c0_i32_0 = arith.constant 0 : i32
    return %arg0, %c0_i32 : i32, i32
  }
  func.func @transform_1(%arg0: i32) -> (i32, i32, i32) {
    %c0_i32 = arith.constant 0 : i32
    %c0_i32_0 = arith.constant 0 : i32
    %c0_i32_1 = arith.constant 0 : i32
    return %c0_i32, %arg0, %c0_i32_0 : i32, i32, i32
  }
  func.func @transform_2(%arg0: i32) -> (i32, i32, i32) {
    %c0_i32 = arith.constant 0 : i32
    %c0_i32_0 = arith.constant 0 : i32
    %c0_i32_1 = arith.constant 0 : i32
    return %c0_i32, %arg0, %c0_i32_0 : i32, i32, i32
  }
  func.func @transform_3(%arg0: i32) -> (i32, i32) {
    %c0_i32 = arith.constant 0 : i32
    %c0_i32_0 = arith.constant 0 : i32
    %c0_i32_1 = arith.constant 0 : i32
    return %c0_i32, %c0_i32_0 : i32, i32
  }
  func.func @transform_4(%arg0: i32) -> (i32, i32) {
    %c0_i32 = arith.constant 0 : i32
    %c0_i32_0 = arith.constant 0 : i32
    return %arg0, %c0_i32 : i32, i32
  }
}

module attributes {stable_mosaic.version = 14 : i64} {
  func.func @_layer2_body(%arg0: i32, %arg1: memref<1000x128xf32, #tpu.memory_space<vmem>>, %arg2: memref<2x1000x128xf32, #tpu.memory_space<vmem>>, %arg3: memref<2x1000x1xf32, #tpu.memory_space<vmem>>, %arg4: memref<128x128xf32, #tpu.memory_space<vmem>>, %arg5: memref<128x128xf32, #tpu.memory_space<vmem>>, %arg6: memref<1x128xf32, #tpu.memory_space<vmem>>, %arg7: memref<64x128xf32, #tpu.memory_space<vmem>>, %arg8: memref<1x64xf32, #tpu.memory_space<vmem>>, %arg9: memref<1000x64xf32, #tpu.memory_space<vmem>>) attributes {dimension_semantics = [#tpu.dimension_semantics<arbitrary>], iteration_bounds = array<i64: 10>, scalar_prefetch = 0 : i64, scratch_operands = 0 : i64, tpu.core_type = #tpu.core_type<tc>, window_params = [{transform_indices = @transform_0, window_bounds = array<i64: 1000, 128>}, {transform_indices = @transform_1, window_bounds = array<i64: 2, 1000, 128>}, {transform_indices = @transform_2, window_bounds = array<i64: 2, 1000, 1>}, {pipeline_mode = #tpu.pipeline_mode<synchronous>, transform_indices = @transform_3, window_bounds = array<i64: 128, 128>}, {pipeline_mode = #tpu.pipeline_mode<synchronous>, transform_indices = @transform_4, window_bounds = array<i64: 128, 128>}, {pipeline_mode = #tpu.pipeline_mode<synchronous>, transform_indices = @transform_5, window_bounds = array<i64: 1, 128>}, {pipeline_mode = #tpu.pipeline_mode<synchronous>, transform_indices = @transform_6, window_bounds = array<i64: 64, 128>}, {pipeline_mode = #tpu.pipeline_mode<synchronous>, transform_indices = @transform_7, window_bounds = array<i64: 1, 64>}, {transform_indices = @transform_8, window_bounds = array<i64: 1000, 64>}]} {
    %get3A = arith.constant 0 : index
    %get3A_0 = arith.constant 0 : index
    %get3A_1 = vector.load %arg1[%get3A, %get3A_0] : memref<1000x128xf32, #tpu.memory_space<vmem>>, vector<1000x128xf32>
    %get3A_2 = arith.constant 0 : index
    %get3A_3 = arith.constant 0 : index
    %get3A_4 = arith.constant 0 : index
    %get3A_5 = vector.load %arg2[%get3A_2, %get3A_3, %get3A_4] : memref<2x1000x128xf32, #tpu.memory_space<vmem>>, vector<1x1000x128xf32>
    %get3A_6 = vector.shape_cast %get3A_5 : vector<1x1000x128xf32> to vector<1000x128xf32>
    %get3A_7 = arith.constant 1 : index
    %get3A_8 = arith.constant 0 : index
    %get3A_9 = arith.constant 0 : index
    %get3A_10 = vector.load %arg2[%get3A_7, %get3A_8, %get3A_9] : memref<2x1000x128xf32, #tpu.memory_space<vmem>>, vector<1x1000x128xf32>
    %get3A_11 = vector.shape_cast %get3A_10 : vector<1x1000x128xf32> to vector<1000x128xf32>
    %add3A = arith.addf %get3A_6, %get3A_11 : vector<1000x128xf32>
    %get3A_12 = arith.constant 0 : index
    %get3A_13 = arith.constant 0 : index
    %get3A_14 = arith.constant 0 : index
    %get3A_15 = vector.load %arg3[%get3A_12, %get3A_13, %get3A_14] : memref<2x1000x1xf32, #tpu.memory_space<vmem>>, vector<1x1000x1xf32>
    %get3A_16 = vector.shape_cast %get3A_15 : vector<1x1000x1xf32> to vector<1000x1xf32>
    %get3A_17 = arith.constant 1 : index
    %get3A_18 = arith.constant 0 : index
    %get3A_19 = arith.constant 0 : index
    %get3A_20 = vector.load %arg3[%get3A_17, %get3A_18, %get3A_19] : memref<2x1000x1xf32, #tpu.memory_space<vmem>>, vector<1x1000x1xf32>
    %get3A_21 = vector.shape_cast %get3A_20 : vector<1x1000x1xf32> to vector<1000x1xf32>
    %add3A_22 = arith.addf %get3A_16, %get3A_21 : vector<1000x1xf32>
    %max3A = arith.constant 1.000000e+00 : f32
    %max3A_23 = vector.broadcast %max3A : f32 to vector<1000x1xf32>
    %max3A_24 = arith.maximumf %add3A_22, %max3A_23 : vector<1000x1xf32>
    %div3A = vector.broadcast %max3A_24 : vector<1000x1xf32> to vector<1000x128xf32>
    %div3A_25 = arith.divf %add3A, %div3A : vector<1000x128xf32>
    %get3A_26 = arith.constant 0 : index
    %get3A_27 = arith.constant 0 : index
    %get3A_28 = vector.load %arg4[%get3A_26, %get3A_27] : memref<128x128xf32, #tpu.memory_space<vmem>>, vector<128x128xf32>
    %dot_general3A = arith.constant dense<0.000000e+00> : vector<1000x128xf32>
    %dot_general3A_29 = tpu.matmul %div3A_25, %get3A_28, %dot_general3A {dimension_numbers = #tpu.dot_dimension_numbers<[1], [1], [0], [0], [0, 0, 1, 0], [], []>, transpose_lhs_hint = false} : vector<1000x128xf32>, vector<128x128xf32>, vector<1000x128xf32> -> vector<1000x128xf32>
    %add3A_30 = arith.addf %get3A_1, %dot_general3A_29 : vector<1000x128xf32>
    %mul3A = arith.mulf %add3A_30, %add3A_30 : vector<1000x128xf32>
    %reduce_sum3A = arith.constant dense<0.000000e+00> : vector<1000xf32>
    %reduce_sum3A_31 = vector.multi_reduction <add>, %mul3A, %reduce_sum3A [1] : vector<1000x128xf32> to vector<1000xf32>
    %broadcast_in_dim3A = vector.shape_cast %reduce_sum3A_31 : vector<1000xf32> to vector<1000x1xf32>
    %sqrt3A = math.sqrt %broadcast_in_dim3A : vector<1000x1xf32>
    %max3A_32 = arith.constant 9.99999996E-13 : f32
    %max3A_33 = vector.broadcast %max3A_32 : f32 to vector<1000x1xf32>
    %max3A_34 = arith.maximumf %sqrt3A, %max3A_33 : vector<1000x1xf32>
    %div3A_35 = vector.broadcast %max3A_34 : vector<1000x1xf32> to vector<1000x128xf32>
    %div3A_36 = arith.divf %add3A_30, %div3A_35 : vector<1000x128xf32>
    %max3A_37 = arith.constant 0.000000e+00 : f32
    %max3A_38 = vector.broadcast %max3A_37 : f32 to vector<1000x128xf32>
    %max3A_39 = arith.maximumf %div3A_36, %max3A_38 : vector<1000x128xf32>
    %get3A_40 = arith.constant 0 : index
    %get3A_41 = arith.constant 0 : index
    %get3A_42 = vector.load %arg5[%get3A_40, %get3A_41] : memref<128x128xf32, #tpu.memory_space<vmem>>, vector<128x128xf32>
    %dot_general3A_43 = arith.constant dense<0.000000e+00> : vector<1000x128xf32>
    %dot_general3A_44 = tpu.matmul %max3A_39, %get3A_42, %dot_general3A_43 {dimension_numbers = #tpu.dot_dimension_numbers<[1], [1], [0], [0], [0, 0, 1, 0], [], []>, transpose_lhs_hint = false} : vector<1000x128xf32>, vector<128x128xf32>, vector<1000x128xf32> -> vector<1000x128xf32>
    %get3A_45 = arith.constant 0 : index
    %get3A_46 = arith.constant 0 : index
    %get3A_47 = vector.load %arg6[%get3A_45, %get3A_46] : memref<1x128xf32, #tpu.memory_space<vmem>>, vector<1x128xf32>
    %add3A_48 = vector.broadcast %get3A_47 : vector<1x128xf32> to vector<1000x128xf32>
    %add3A_49 = arith.addf %dot_general3A_44, %add3A_48 : vector<1000x128xf32>
    %get3A_50 = arith.constant 0 : index
    %get3A_51 = arith.constant 0 : index
    %get3A_52 = vector.load %arg7[%get3A_50, %get3A_51] : memref<64x128xf32, #tpu.memory_space<vmem>>, vector<64x128xf32>
    %dot_general3A_53 = arith.constant dense<0.000000e+00> : vector<1000x64xf32>
    %dot_general3A_54 = tpu.matmul %add3A_49, %get3A_52, %dot_general3A_53 {dimension_numbers = #tpu.dot_dimension_numbers<[1], [1], [0], [0], [0, 0, 1, 0], [], []>, transpose_lhs_hint = false} : vector<1000x128xf32>, vector<64x128xf32>, vector<1000x64xf32> -> vector<1000x64xf32>
    %get3A_55 = arith.constant 0 : index
    %get3A_56 = arith.constant 0 : index
    %get3A_57 = vector.load %arg8[%get3A_55, %get3A_56] : memref<1x64xf32, #tpu.memory_space<vmem>>, vector<1x64xf32>
    %add3A_58 = vector.broadcast %get3A_57 : vector<1x64xf32> to vector<1000x64xf32>
    %add3A_59 = arith.addf %dot_general3A_54, %add3A_58 : vector<1000x64xf32>
    %reduce_max3A = arith.constant dense<0xFF800000> : vector<1000xf32>
    %reduce_max3A_60 = vector.multi_reduction <maximumf>, %add3A_59, %reduce_max3A [1] : vector<1000x64xf32> to vector<1000xf32>
    %broadcast_in_dim3A_61 = vector.shape_cast %reduce_max3A_60 : vector<1000xf32> to vector<1000x1xf32>
    %sub3A = vector.broadcast %broadcast_in_dim3A_61 : vector<1000x1xf32> to vector<1000x64xf32>
    %sub3A_62 = arith.subf %add3A_59, %sub3A : vector<1000x64xf32>
    %exp3A = math.exp %sub3A_62 : vector<1000x64xf32>
    %reduce_sum3A_63 = arith.constant dense<0.000000e+00> : vector<1000xf32>
    %reduce_sum3A_64 = vector.multi_reduction <add>, %exp3A, %reduce_sum3A_63 [1] : vector<1000x64xf32> to vector<1000xf32>
    %broadcast_in_dim3A_65 = vector.shape_cast %reduce_sum3A_64 : vector<1000xf32> to vector<1000x1xf32>
    %log3A = math.log %broadcast_in_dim3A_65 : vector<1000x1xf32>
    %sub3A_66 = vector.broadcast %log3A : vector<1000x1xf32> to vector<1000x64xf32>
    %sub3A_67 = arith.subf %sub3A_62, %sub3A_66 : vector<1000x64xf32>
    %swap3A = arith.constant 0 : index
    %swap3A_68 = arith.constant 0 : index
    %swap3A_69 = vector.load %arg9[%swap3A, %swap3A_68] : memref<1000x64xf32, #tpu.memory_space<vmem>>, vector<1000x64xf32>
    tpu.vector_store %arg9[%swap3A, %swap3A_68], %sub3A_67 {strides = array<i32>} : memref<1000x64xf32, #tpu.memory_space<vmem>>, vector<1000x64xf32>,
    return
  }
  func.func @transform_0(%arg0: i32) -> (i32, i32) {
    %c0_i32 = arith.constant 0 : i32
    %c0_i32_0 = arith.constant 0 : i32
    return %arg0, %c0_i32 : i32, i32
  }
  func.func @transform_1(%arg0: i32) -> (i32, i32, i32) {
    %c0_i32 = arith.constant 0 : i32
    %c0_i32_0 = arith.constant 0 : i32
    %c0_i32_1 = arith.constant 0 : i32
    return %c0_i32, %arg0, %c0_i32_0 : i32, i32, i32
  }
  func.func @transform_2(%arg0: i32) -> (i32, i32, i32) {
    %c0_i32 = arith.constant 0 : i32
    %c0_i32_0 = arith.constant 0 : i32
    %c0_i32_1 = arith.constant 0 : i32
    return %c0_i32, %arg0, %c0_i32_0 : i32, i32, i32
  }
  func.func @transform_3(%arg0: i32) -> (i32, i32) {
    %c0_i32 = arith.constant 0 : i32
    %c0_i32_0 = arith.constant 0 : i32
    %c0_i32_1 = arith.constant 0 : i32
    return %c0_i32, %c0_i32_0 : i32, i32
  }
  func.func @transform_4(%arg0: i32) -> (i32, i32) {
    %c0_i32 = arith.constant 0 : i32
    %c0_i32_0 = arith.constant 0 : i32
    %c0_i32_1 = arith.constant 0 : i32
    return %c0_i32, %c0_i32_0 : i32, i32
  }
  func.func @transform_5(%arg0: i32) -> (i32, i32) {
    %c0_i32 = arith.constant 0 : i32
    %c0_i32_0 = arith.constant 0 : i32
    %c0_i32_1 = arith.constant 0 : i32
    return %c0_i32, %c0_i32_0 : i32, i32
  }
  func.func @transform_6(%arg0: i32) -> (i32, i32) {
    %c0_i32 = arith.constant 0 : i32
    %c0_i32_0 = arith.constant 0 : i32
    %c0_i32_1 = arith.constant 0 : i32
    return %c0_i32, %c0_i32_0 : i32, i32
  }
  func.func @transform_7(%arg0: i32) -> (i32, i32) {
    %c0_i32 = arith.constant 0 : i32
    %c0_i32_0 = arith.constant 0 : i32
    %c0_i32_1 = arith.constant 0 : i32
    return %c0_i32, %c0_i32_0 : i32, i32
  }
  func.func @transform_8(%arg0: i32) -> (i32, i32) {
    %c0_i32 = arith.constant 0 : i32
    %c0_i32_0 = arith.constant 0 : i32
    return %arg0, %c0_i32 : i32, i32
  }
}

</mosaic_0001>

<sc_bundles>
// kernel: kernel.11.cloned.1.call-start
scs
__scs_entry_jumppad:
0x0: {  	(pc) =	sbr.rel $0x88, $3  }
0x1: {  	(tag) =	ssettag $0x0;
	lr =	simm.s32 $0x1  }
0x2: {  	[smem:$0x3F93] =	sst lr;
	_ =	strace $0xD0000000  }
0x3: {  	_ = 	snop  }
0x4: {  	_ = 	snop  }
0x5: {  	_ = 	snop  }
0x6: {  	_ = 	snop  }
0x7: {  	_ = 	snop  }
__scs_overlays_trampoline_lowered:
0x8: {  	[smem:$0x3FA2] =	sst s0  }
0x9: {  	[smem:$0x3FA3] =	sst s1  }
0xa: {  	[smem:$0x3FA4] =	sst s2  }
0xb: {  	[smem:$0x3FA5] =	sst s3  }
0xc: {  	[smem:$0x3FA6] =	sst s4  }
0xd: {  	[smem:$0x3FA7] =	sst s5  }
0xe: {  	[smem:$0x3FA8] =	sst s6  }
0xf: {  	[smem:$0x3FA9] =	sst s7  }
0x10: {  	[smem:$0x3FAA] =	sst s8  }
0x11: {  	[smem:$0x3FAB] =	sst s9;
	s0 =	simm.s32 @!p0 $0x0  }
0x12: {  	s1 =	sld [smem:$0x3F91];
	s0 =	simm.s32 @p0 $0x1  }
0x13: {  	[smem:$0x3FAC] =	sst s0;
	s0 =	simm.s32 @!p1 $0x0  }
0x14: {  	s2 =	sld [smem:$0x3F90];
	s0 =	simm.s32 @p1 $0x1  }
0x15: {  	[smem:$0x3FAD] =	sst s0;
	s0 =	simm.s32 @!p2 $0x0  }
0x16: {  	s3 =	sld [smem:$0x3FDB];
	s0 =	simm.s32 @p2 $0x1  }
0x17: {  	s4 =	simm.s32 $0x1BF5;
	[smem:$0x3FAF] =	sst s0  }
0x18: {  	s0 =	sld [smem:$0x3F92];
	_ =	swait.ge [sflag:s4], $0x0  }
0x19: {  	s7 =	sld [smem:$0x3F93]  }
0x1a: {  	s8 =	sadd.s32 $0xFFFFE003, lr  }
0x1b: {  	s9 =	sadd.s32 $0xFFFFFEF7, lr;
	s5 =	simm.s32 $0xFFFFFFFF;
	p2 =	slt.u32 s8, $0xFFFFF086  }
0x1c: {  	p1 =	slt.u32 s9, $0xF7A;
	s5 =	simm.s32 @!p2 $0x0  }
0x1d: {  	s5 =	simm.s32 @p1 $0x1;
	p0 =	seq.s32 s7, s2  }
0x1e: {  	s7 =	smul.u32 @!p0 $0xF7A, s2;
	p2 =	seq.s32 @!p0 s5, $0x0  }
0x1f: {  	s9 =	smul.u32 $0xF7A, s1;
	s8 =	simm.s32 @!p0 $0x1BF5;
	p2 =	por !p2, p0  }
0x20: {  	[sflag:s8] =	ssyncset.s32 @!p0 $0xFFFFF086;
	s6 =	sadd.s32 @!p0 s3, s7;
	s7 =	simm.s32 @!p0 $0x108  }
0x21: {  	s3 =	sadd.s32 s3, s9;
	s6 =	sadd.s32 @!p0 $0x88, s6;
	s7 =	simm.s32 @p2 $0x1082  }
0x22: {  	[simem:s7], [sflag:s8] =	dma.local @!p0 [hbm:s6], $0xF7A  }
0x23: {  	s9 =	sor.u32 $0xD0000000, s2;
	s6 =	simm.s32 $0x108;
	_ =	swait.ge @!p0 [sflag:s8], $0x0  }
0x24: {  	s3 =	sadd.s32 $0x88, s3;
	s6 =	simm.s32 @!p1 $0x1082;
	[sflag:s4] =	ssyncset.s32 $0xFFFFF086  }
0x25: {  	[simem:s6], [sflag:s4] =	dma.local [hbm:s3], $0xF7A  }
0x26: {  	[smem:$0x3F93] =	sst s1;
	(tag) =	ssettag s2;
	_ =	strace s9  }
0x27: {  	s1 =	sld [smem:$0x3FA3]  }
0x28: {  	s2 =	sld [smem:$0x3FA4]  }
0x29: {  	s4 =	sld [smem:$0x3FA6]  }
0x2a: {  	p0 =	seq.s32 s5, $0x0;
	s5 =	sld [smem:$0x3FA7]  }
0x2b: {  	s6 =	sld [smem:$0x3FA8]  }
0x2c: {  	s7 =	sld [smem:$0x3FA9]  }
0x2d: {  	s3 =	simm.s32 $0x108;
	s8 =	sld [smem:$0x3FAA]  }
0x2e: {  	s3 =	simm.s32 @!p0 $0x1082;
	s9 =	sld [smem:$0x3FAB]  }
0x2f: {  	lr =	sadd.s32 s0, s3;
	s0 =	sld [smem:$0x3FA2]  }
0x30: {  	s3 =	sld [smem:$0x3FA5]  }
0x31: {  	[smem:$0x3FAE] =	sst s10  }
0x32: {  	s10 =	sld [smem:$0x3FAC];
	_ =	sdelay $0x3  }
0x33: {  	p0 =	seq.s32 s10, $0x1;
	s10 =	sld [smem:$0x3FAE];
	_ =	sdelay $0x3  }
0x34: {  	[smem:$0x3FAE] =	sst s10  }
0x35: {  	s10 =	sld [smem:$0x3FAD];
	_ =	sdelay $0x3  }
0x36: {  	p1 =	seq.s32 s10, $0x1;
	s10 =	sld [smem:$0x3FAE];
	_ =	sdelay $0x3  }
0x37: {  	[smem:$0x3FAE] =	sst s10  }
0x38: {  	s10 =	sld [smem:$0x3FAF]  }
0x39: {  	_ = 	snop;
	(pc) =	sbr.ind lr, $3  }
0x3a: {  	_ = 	snop  }
0x3b: {  	_ = 	snop  }
0x3c: {  	p2 =	seq.s32 s10, $0x1;
	s10 =	sld [smem:$0x3FAE]  }
0x3d: {  	_ =	shalt  }
0x3e: {  	_ =	shalt  }
0x3f: {  	_ =	shalt  }
0x40: {  	_ =	shalt  }
0x41: {  	_ =	shalt  }
0x42: {  	_ =	shalt  }
0x43: {  	_ =	shalt  }
0x44: {  	_ =	shalt  }
0x45: {  	_ =	shalt  }
0x46: {  	_ =	shalt  }
0x47: {  	_ =	shalt  }
0x48: {  	_ =	shalt  }
0x49: {  	_ =	shalt  }
0x4a: {  	_ =	shalt  }
0x4b: {  	_ =	shalt  }
0x4c: {  	_ =	shalt  }
0x4d: {  	_ =	shalt  }
0x4e: {  	_ =	shalt  }
0x4f: {  	_ =	shalt  }
0x50: {  	_ =	shalt  }
0x51: {  	_ =	shalt  }
0x52: {  	_ =	shalt  }
0x53: {  	_ =	shalt  }
0x54: {  	_ =	shalt  }
0x55: {  	_ =	shalt  }
0x56: {  	_ =	shalt  }
0x57: {  	_ =	shalt  }
0x58: {  	_ =	shalt  }
0x59: {  	_ =	shalt  }
0x5a: {  	_ =	shalt  }
0x5b: {  	_ =	shalt  }
0x5c: {  	_ =	shalt  }
0x5d: {  	_ =	shalt  }
0x5e: {  	_ =	shalt  }
0x5f: {  	_ =	shalt  }
0x60: {  	_ =	shalt  }
0x61: {  	_ =	shalt  }
0x62: {  	_ =	shalt  }
0x63: {  	_ =	shalt  }
0x64: {  	_ =	shalt  }
0x65: {  	_ =	shalt  }
0x66: {  	_ =	shalt  }
0x67: {  	_ =	shalt  }
0x68: {  	_ =	shalt  }
0x69: {  	_ =	shalt  }
0x6a: {  	_ =	shalt  }
0x6b: {  	_ =	shalt  }
0x6c: {  	_ =	shalt  }
0x6d: {  	_ =	shalt  }
0x6e: {  	_ =	shalt  }
0x6f: {  	_ =	shalt  }
0x70: {  	_ =	shalt  }
0x71: {  	_ =	shalt  }
0x72: {  	_ =	shalt  }
0x73: {  	_ =	shalt  }
0x74: {  	_ =	shalt  }
0x75: {  	_ =	shalt  }
0x76: {  	_ =	shalt  }
0x77: {  	_ =	shalt  }
0x78: {  	_ =	shalt  }
0x79: {  	_ =	shalt  }
0x7a: {  	_ =	shalt  }
0x7b: {  	_ =	shalt  }
0x7c: {  	_ =	shalt  }
0x7d: {  	_ =	shalt  }
0x7e: {  	_ =	shalt  }
0x7f: {  	_ =	shalt  }
0x80: {  	_ =	shalt  }
0x81: {  	_ =	shalt  }
0x82: {  	_ =	shalt  }
0x83: {  	_ =	shalt  }
0x84: {  	_ =	shalt  }
0x85: {  	_ =	shalt  }
0x86: {  	_ =	shalt  }
0x87: {  	_ =	shalt  }
.Lfunc_end0:
.L_simem_size_0:
called_computation.1_lowered:
.L_overlay_start_0:
0x88: {  	s2 =	sld [smem:$0x3FD9]  }
0x89: {  	s3 =	sld [smem:$0x3FFE];
	_ =	sdelay $0x1  }
0x8a: {  	s1 =	srdreg.scid  }
0x8b: {  	s0 =	sand.u32 $0x1, s1  }
0x8c: {  	s17 =	sshll.u32 s0, $0xA;
	s2 =	sadd.s32 s3, s2  }
0x8d: {  	s2 =	sadd.s32 s2, s17  }
0x8e: {  	[smem:$0x3FBA] =	sst s2  }
0x8f: {  	_ = 	snop  }
0x90: {  	s2 =	sld [smem:$0x3FD0];
	(tm) =	ssettm $0x1  }
0x91: {  	s18 =	sld [smem:$0x3FFB];
	_ =	sdelay $0x3  }
0x92: {  	_ =	strace s18  }
0x93: {  	s3 =	sld [smem:$0x3FFC];
	_ =	sdelay $0x3  }
0x94: {  	_ =	strace s3  }
0x95: {  	s3 =	sld [smem:$0x3FFD];
	_ =	sdelay $0x3  }
0x96: {  	_ =	strace s3  }
0x97: {  	_ =	strace $0x8FFFFFFF  }
0x98: {  	s19 =	sld [smem:$0x3FDB];
	_ =	sdelay $0x1  }
0x99: {  	s4 =	simm.s32 $_scs_section_size  }
0x9a: {  	s5 =	simm.s32 $_size__tile_overlayer_lowered;
	s6 =	simm.s32 $_tile_overlayer_lowered  }
0x9b: {  	s22 =	simm.s32 $0x1BFF;
	s21 =	sshll.u32 s6, $0x1;
	s3 =	sadd.s32 s4, s19  }
0x9c: {  	s7 =	simm.s32 $0x0;
	s20 =	sshll.u32 s5, $0x1;
	s5 =	sadd.s32 s21, s3  }
0x9d: {  	[timem:s7], [sflag:s22] =	dma.local [hbm:s5], s20  }
0x9e: {  	_ =	swait.ge [sflag:s22], s20  }
0x9f: {  	s4 =	ssub.s32 $0x0, s20;
	[sflag:s22] =	ssyncset.done $0x0  }
0xa0: {  	[sflag:s22] =	ssyncadd.s32 s4;
	_ =	sdelay $0x1  }
0xa1: {  	s23 =	simm.s32 $0x1B8B  }
0xa2: {  	_ =	swait.ge [sflag:s23], $0x1  }
0xa3: {  	[sflag:s23] =	ssyncset.done $0x0  }
0xa4: {  	s25 =	simm.s32 $0x1B8E;
	s24 =	sld [smem:$0x3FFE];
	[sflag:s23] =	ssyncadd.s32 $0xFFFFFFFF  }
0xa5: {  	s26 =	simm.s32 $execute0_lowered;
	[smem:$0x3FD2] =	sst s25  }
0xa6: {  	s5 =	sshll.u32 s26, $0x1;
	_ =	strace $0x80000049;
	[dreg:$0x1] =	wrdreg $0xFFFFFFFF  }
0xa7: {  	s28 =	simm.s32 $_size_execute0_lowered;
	s3 =	sadd.s32 s3, s5;
	[dreg:$0x0] =	wrdreg $0x0  }
0xa8: {  	s5 =	sshll.u32 s28, $0x1;
	[dreg:$0x2] =	wrdreg s3  }
0xa9: {  	[dreg:$0x3] =	wrdreg s5  }
0xaa: {  	[dreg:$0x4] =	wrdreg $0xC0  }
0xab: {  	_ =	task [dreg:s7], $0x5FFFF  }
0xac: {  	[dreg:$0x1] =	wrdreg $0xFFFFFFFF  }
0xad: {  	[dreg:$0x0] =	wrdreg $0x60  }
0xae: {  	[dreg:$0x2] =	wrdreg s24  }
0xaf: {  	[dreg:$0x3] =	wrdreg s2  }
0xb0: {  	[dreg:$0x4] =	wrdreg $0xA8000  }
0xb1: {  	[dreg:$0x5] =	wrdreg $0x9  }
0xb2: {  	_ =	task.clear_ibuf [dreg:s7], $0x6FFFF;
	_ =	strace $0x90000049  }
0xb3: {  	s29 =	simm.s32 $0x9;
	_ =	strace $0x8000004B  }
0xb4: {  	_ =	swait.ge [sflag:s29], $0x1  }
0xb5: {  	[sflag:s29] =	ssyncadd.s32 $0xFFFFFFFF  }
0xb6: {  	_ =	strace $0x9000004B  }
0xb7: {  	_ =	sfence  }
0xb8: {  	s30 =	sld [smem:$0x0];
	_ =	sdelay $0x2  }
0xb9: {  	s31 =	sshll.u32 s1, $0xD;
	s1 =	sshrl.u32 s1, $0x2  }
0xba: {  	s3 =	sand.u32 $0x4000, s31;
	s1 =	sadd.s32 s1, s30  }
0xbb: {  	s0 =	sor.u32 s3, s0;
	s1 =	sshll.u32 s1, $0x11  }
0xbc: {  	s0 =	sor.u32 s1, s0  }
0xbd: {  	s0 =	sadd.s32 $0x8F2B, s0  }
0xbe: {  	[sflag:s0] =	ssyncadd.remote.s32 $0x1  }
0xbf: {  	_ =	sfence.sel $0xFFFF  }
0xc0: {  	[dreg:$0x0] =	wrdreg $0xFFFFFFFF;
	(pc) =	sbr.abs _section_cstart, $3  }
0xc1: {  	[dreg:$0x1] =	wrdreg $0xFFFFFFFF  }
0xc2: {  	_ =	task.clear_ibuf [dreg:s7], $0x2FFFF;
	_ =	strace $0x9FFFFFFF  }
0xc3: {  	(tm) =	ssettm $0x7FFFFFFF  }
tec
execute0_lowered:
.L_overlay_start_1:
0x0: {  	(tag) =	ssettag $0x1  }
0x1: {  	s5 =	rddreg [dreg:$0x0]  }
0x2: {  	s7 =	rddreg [dreg:$0x1]  }
0x3: {  	s1 =	rddreg [dreg:$0x2]  }
0x4: {  	s0 =	rddreg [dreg:$0x3];
	s3 =	simm.s32 $0x0;
	s4 =	srdreg.scid  }
0x5: {  	s2 =	stileid.u32;
	s15 =	simm.s32 $0x8000;
	s16 =	simm.s32 $0x1  }
0x6: {  	s17 =	simm.s32 $0x0;
	[smem:$0x7FF] =	sst s3;
	s9 =	smul.u32 $0x14000, s2  }
0x7: {  	s6 =	sand.u32 $0x1, s4;
	s8 =	sshll.u32 s2, $0xB;
	s29 =	smul.u32 $0x50000, s2  }
0x8: {  	s31 =	sshll.u32 s2, $0x6;
	s4 =	sshll.u32 s6, $0xF;
	_ =	strace $0x8000004A  }
0x9: {  	s10 =	smul.u32 $0x140000, s6;
	s6 =	ssub.s32 $0x2, s6;
	s8 =	sor.u32 s8, s4  }
0xa: {  	s4 =	sadd.s32 $0x3B200, s5;
	s12 =	sshrl.u32 s9, $0x3;
	s13 =	sshrl.u32 s6, $0x1  }
0xb: {  	s30 =	sshrl.u32 s29, $0x2;
	s11 =	sadd.s32 s8, s5;
	s9 =	sadd.s32 s9, s10  }
0xc: {  	s12 =	sadd.s32 s12, s5;
	s13 =	ssub.s32 s6, s13;
	s14 =	sadd.s32 s30, s1  }
0xd: {  	s6 =	sor.u32 $0x1C02, s31;
	s7 =	sadd.s32 s7, s8;
	s9 =	sshrl.u32 s9, $0x3  }
0xe: {  	s8 =	sadd.s32 $0x2C00, s11;
	s10 =	smax.u32 s13, $0x1;
	s11 =	sshrl.u32 s14, $0x3  }
0xf: {  	s13 =	simm.s32 $0x4000;
	s14 =	simm.s32 $0x50;
	s9 =	sadd.s32 s9, s5  }
0x10: {  	s5 =	sadd.s32 $0x12C00, s12;
	s12 =	simm.s32 $0x2;
	s9 =	sadd.s32 $0xDBC00, s9  }
.LBB2_1:
0x11: {  	[spmem:s11], [sflag:s6] =	dma.local [hbm:s5], $0x2800  }
0x12: {  	_ =	swait.ge [sflag:s12], $0x2800  }
0x13: {  	[sflag:s12] =	ssyncset.done $0x0  }
0x14: {  	[sflag:s12] =	ssyncadd.s32 $0xFFFFD800  }
0x15: {  	[tilespmem:s3], [sflag:$0x2] =	stream.linear.gather [hbm4b:s7+s3], $0x3E80, $0x38;
	[tilespmem:$0x1E800] =	vst v63  }
0x16: {  	_ =	swait.ge [sflag:s12], $0x3E80  }
0x17: {  	[sflag:s12] =	ssyncset.done $0x0  }
0x18: {  	[sflag:s12] =	ssyncadd.s32 $0xFFFFC180  }
0x19: {  	[tilespmem:s13], [sflag:$0x2] =	stream.linear.gather [hbm4b:s8+s3], $0x3E80, $0x38;
	[tilespmem:$0x1E800] =	vst v63  }
0x1a: {  	_ =	swait.ge [sflag:s12], $0x3E80  }
0x1b: {  	[sflag:s12] =	ssyncset.done $0x0  }
0x1c: {  	[sflag:s12] =	ssyncadd.s32 $0xFFFFC180  }
0x1d: {  	s18 =	simm.s32 $0x0;
	[bflag:$0x0] =	sbarrier.arrive $0xFFFF  }
0x1e: {  	[tilespmem:s15], [sflag:$0x1] =	stream.indirect.gather [hbm4b:s4+s14], $0x80, s18, s14, $0xb8;
	[tilespmem:$0x1E800] =	vst v63  }
0x1f: {  	_ =	swait.ge [sflag:s16], $0x2800  }
0x20: {  	[sflag:s16] =	ssyncset.done $0x0  }
0x21: {  	s31 =	simm.s32 $0x4000;
	[sflag:s16] =	ssyncadd.s32 $0xFFFFD800  }
0x22: {  	[spmem:s1] =	stream.indirect.scatter.add.f32 [tilespmem:s15], [sflag:$0x2], $0x80, s31, s14, $0xb8;
	[tilespmem:$0x1E800] =	vst v63  }
0x23: {  	_ =	swait.ge [sflag:s12], $0x2800  }
0x24: {  	s19 =	simm.s32 $0x400;
	s18 =	simm.s32 $0x200;
	[sflag:s12] =	ssyncset.done $0x0  }
.LBB2_2:
0x25: {  	s20 =	sshra.s32 s18, $0x2  }
0x26: {  	[sflag:s12] =	ssyncadd.s32 $0xFFFFD800;
	s18 =	smov.u32 s19;
	s21 =	sadd.s32 $0x200, s19  }
0x27: {  	[tilespmem:s15], [sflag:$0x1] =	stream.indirect.gather [hbm4b:s4+s14], $0x80, s20, s14, $0xb8;
	[tilespmem:$0x1E800] =	vst v63  }
0x28: {  	p0 =	sne.s32 s19, $0xF800;
	_ =	swait.ge [sflag:s16], $0x2800  }
.Ltmp0:
0x29: {  	[sflag:s16] =	ssyncset.done $0x0;
	(pc) =	sbr.rel @p0 .LBB2_2-.Ltmp0, $4  }
0x2a: {  	s19 =	sadd.s32 $0x4000, s20;
	[sflag:s16] =	ssyncadd.s32 $0xFFFFD800  }
0x2b: {  	[spmem:s1] =	stream.indirect.scatter.add.f32 [tilespmem:s15], [sflag:$0x2], $0x80, s19, s14, $0xb8;
	[tilespmem:$0x1E800] =	vst v63  }
0x2c: {  	_ =	swait.ge [sflag:s12], $0x2800  }
0x2d: {  	s19 =	smov.u32 s21;
	[sflag:s12] =	ssyncset.done $0x0  }
0x2e: {  	s18 =	sshra.s32 s18, $0x2;
	[sflag:s12] =	ssyncadd.s32 $0xFFFFD800  }
0x2f: {  	[tilespmem:s15], [sflag:$0x1] =	stream.indirect.gather [hbm4b:s4+s14], $0x80, s18, s14, $0xb8;
	[tilespmem:$0x1E800] =	vst v63  }
0x30: {  	_ =	swait.ge [sflag:s16], $0x2800  }
0x31: {  	[sflag:s16] =	ssyncset.done $0x0  }
0x32: {  	s18 =	sadd.s32 $0x4000, s18;
	[sflag:s16] =	ssyncadd.s32 $0xFFFFD800  }
0x33: {  	[spmem:s1] =	stream.indirect.scatter.add.f32 [tilespmem:s15], [sflag:$0x2], $0x80, s18, s14, $0xb8;
	[tilespmem:$0x1E800] =	vst v63  }
0x34: {  	_ =	swait.ge [sflag:s12], $0x2800  }
0x35: {  	s17 =	sadd.s32 $0x1, s17;
	[sflag:s12] =	ssyncset.done $0x0  }
0x36: {  	p0 =	sne.s32 s17, s10;
	[sflag:s12] =	ssyncadd.s32 $0xFFFFD800  }
.Ltmp1:
0x37: {  	[bflag:$0x0] =	sbarrier.arrive $0xFFFF;
	(pc) =	sbr.rel @p0 .LBB2_1-.Ltmp1, $4  }
0x38: {  	[hbm:s9], [sflag:s6] =	dma.local [spmem:s11], $0x2800  }
0x39: {  	_ =	swait.ge [sflag:s12], $0x2800  }
0x3a: {  	[sflag:s12] =	ssyncset.done $0x0  }
0x3b: {  	[sflag:s12] =	ssyncadd.s32 $0xFFFFD800  }
0x3c: {  	_ =	sfence.sel $0x180000  }
0x3d: {  	[bflag:$0x0] =	sbarrier.arrive $0xFFFF  }
0x3e: {  	p0 =	sne.s32 s2, $0x0;
	_ =	strace $0x9000004A  }
0x3f: {  	s0 =	sadd.s32 @!p0 $0x100000, s0;
	[bflag:$0x2] =	sbarrier.arrive $0xFFFF  }
0x40: {  	[sflag:s0] =	ssyncadd.tile.s32 @!p0 $0x1;
	_ =	shalt  }
.Lfunc_end2:
_tile_overlayer_lowered:
.L_overlay_start_2:
0x41: {  	(tag) =	ssettag $0x2  }
0x42: {  	s0 =	rddreg [dreg:$0x0];
	s2 =	stileid.u32  }
0x43: {  	s1 =	rddreg [dreg:$0x1];
	p0 =	sne.s32 s2, $0x0  }
0x44: {  	s3 =	rddreg [dreg:$0x2];
	[bflag:$0x3] =	sbarrier.arrive $0xFFFF;
	s2 =	simm.s32 @!p0 $0x1C02  }
0x45: {  	[timem:s3], [sflag:s2] =	dma.local @!p0 [hbm:s0], s1  }
0x46: {  	s0 =	simm.s32 @!p0 $0x2  }
0x47: {  	_ =	swait.ge @!p0 [sflag:s0], s1  }
0x48: {  	s1 =	ssub.s32 @!p0 $0x0, s1;
	[sflag:s0] =	ssyncset.done @!p0 $0x0  }
0x49: {  	[sflag:s0] =	ssyncadd.s32 @!p0 s1  }
0x4a: {  	[bflag:$0x3] =	sbarrier.arrive $0xFFFF  }
0x4b: {  	_ =	shalt  }

// kernel: kernel.8.cloned.1.call-start
scs
__scs_entry_jumppad:
0x0: {  	(pc) =	sbr.rel $0x88, $3  }
0x1: {  	(tag) =	ssettag $0x0;
	lr =	simm.s32 $0x1  }
0x2: {  	[smem:$0x3F93] =	sst lr;
	_ =	strace $0xD0000000  }
0x3: {  	_ = 	snop  }
0x4: {  	_ = 	snop  }
0x5: {  	_ = 	snop  }
0x6: {  	_ = 	snop  }
0x7: {  	_ = 	snop  }
__scs_overlays_trampoline_lowered:
0x8: {  	[smem:$0x3FA2] =	sst s0  }
0x9: {  	[smem:$0x3FA3] =	sst s1  }
0xa: {  	[smem:$0x3FA4] =	sst s2  }
0xb: {  	[smem:$0x3FA5] =	sst s3  }
0xc: {  	[smem:$0x3FA6] =	sst s4  }
0xd: {  	[smem:$0x3FA7] =	sst s5  }
0xe: {  	[smem:$0x3FA8] =	sst s6  }
0xf: {  	[smem:$0x3FA9] =	sst s7  }
0x10: {  	[smem:$0x3FAA] =	sst s8  }
0x11: {  	[smem:$0x3FAB] =	sst s9;
	s0 =	simm.s32 @!p0 $0x0  }
0x12: {  	s1 =	sld [smem:$0x3F91];
	s0 =	simm.s32 @p0 $0x1  }
0x13: {  	[smem:$0x3FAC] =	sst s0;
	s0 =	simm.s32 @!p1 $0x0  }
0x14: {  	s2 =	sld [smem:$0x3F90];
	s0 =	simm.s32 @p1 $0x1  }
0x15: {  	[smem:$0x3FAD] =	sst s0;
	s0 =	simm.s32 @!p2 $0x0  }
0x16: {  	s3 =	sld [smem:$0x3FDB];
	s0 =	simm.s32 @p2 $0x1  }
0x17: {  	s4 =	simm.s32 $0x1BF5;
	[smem:$0x3FAF] =	sst s0  }
0x18: {  	s0 =	sld [smem:$0x3F92];
	_ =	swait.ge [sflag:s4], $0x0  }
0x19: {  	s7 =	sld [smem:$0x3F93]  }
0x1a: {  	s8 =	sadd.s32 $0xFFFFE003, lr  }
0x1b: {  	s9 =	sadd.s32 $0xFFFFFEF7, lr;
	s5 =	simm.s32 $0xFFFFFFFF;
	p2 =	slt.u32 s8, $0xFFFFF086  }
0x1c: {  	p1 =	slt.u32 s9, $0xF7A;
	s5 =	simm.s32 @!p2 $0x0  }
0x1d: {  	s5 =	simm.s32 @p1 $0x1;
	p0 =	seq.s32 s7, s2  }
0x1e: {  	s7 =	smul.u32 @!p0 $0xF7A, s2;
	p2 =	seq.s32 @!p0 s5, $0x0  }
0x1f: {  	s9 =	smul.u32 $0xF7A, s1;
	s8 =	simm.s32 @!p0 $0x1BF5;
	p2 =	por !p2, p0  }
0x20: {  	[sflag:s8] =	ssyncset.s32 @!p0 $0xFFFFF086;
	s6 =	sadd.s32 @!p0 s3, s7;
	s7 =	simm.s32 @!p0 $0x108  }
0x21: {  	s3 =	sadd.s32 s3, s9;
	s6 =	sadd.s32 @!p0 $0x88, s6;
	s7 =	simm.s32 @p2 $0x1082  }
0x22: {  	[simem:s7], [sflag:s8] =	dma.local @!p0 [hbm:s6], $0xF7A  }
0x23: {  	s9 =	sor.u32 $0xD0000000, s2;
	s6 =	simm.s32 $0x108;
	_ =	swait.ge @!p0 [sflag:s8], $0x0  }
0x24: {  	s3 =	sadd.s32 $0x88, s3;
	s6 =	simm.s32 @!p1 $0x1082;
	[sflag:s4] =	ssyncset.s32 $0xFFFFF086  }
0x25: {  	[simem:s6], [sflag:s4] =	dma.local [hbm:s3], $0xF7A  }
0x26: {  	[smem:$0x3F93] =	sst s1;
	(tag) =	ssettag s2;
	_ =	strace s9  }
0x27: {  	s1 =	sld [smem:$0x3FA3]  }
0x28: {  	s2 =	sld [smem:$0x3FA4]  }
0x29: {  	s4 =	sld [smem:$0x3FA6]  }
0x2a: {  	p0 =	seq.s32 s5, $0x0;
	s5 =	sld [smem:$0x3FA7]  }
0x2b: {  	s6 =	sld [smem:$0x3FA8]  }
0x2c: {  	s7 =	sld [smem:$0x3FA9]  }
0x2d: {  	s3 =	simm.s32 $0x108;
	s8 =	sld [smem:$0x3FAA]  }
0x2e: {  	s3 =	simm.s32 @!p0 $0x1082;
	s9 =	sld [smem:$0x3FAB]  }
0x2f: {  	lr =	sadd.s32 s0, s3;
	s0 =	sld [smem:$0x3FA2]  }
0x30: {  	s3 =	sld [smem:$0x3FA5]  }
0x31: {  	[smem:$0x3FAE] =	sst s10  }
0x32: {  	s10 =	sld [smem:$0x3FAC];
	_ =	sdelay $0x3  }
0x33: {  	p0 =	seq.s32 s10, $0x1;
	s10 =	sld [smem:$0x3FAE];
	_ =	sdelay $0x3  }
0x34: {  	[smem:$0x3FAE] =	sst s10  }
0x35: {  	s10 =	sld [smem:$0x3FAD];
	_ =	sdelay $0x3  }
0x36: {  	p1 =	seq.s32 s10, $0x1;
	s10 =	sld [smem:$0x3FAE];
	_ =	sdelay $0x3  }
0x37: {  	[smem:$0x3FAE] =	sst s10  }
0x38: {  	s10 =	sld [smem:$0x3FAF]  }
0x39: {  	_ = 	snop;
	(pc) =	sbr.ind lr, $3  }
0x3a: {  	_ = 	snop  }
0x3b: {  	_ = 	snop  }
0x3c: {  	p2 =	seq.s32 s10, $0x1;
	s10 =	sld [smem:$0x3FAE]  }
0x3d: {  	_ =	shalt  }
0x3e: {  	_ =	shalt  }
0x3f: {  	_ =	shalt  }
0x40: {  	_ =	shalt  }
0x41: {  	_ =	shalt  }
0x42: {  	_ =	shalt  }
0x43: {  	_ =	shalt  }
0x44: {  	_ =	shalt  }
0x45: {  	_ =	shalt  }
0x46: {  	_ =	shalt  }
0x47: {  	_ =	shalt  }
0x48: {  	_ =	shalt  }
0x49: {  	_ =	shalt  }
0x4a: {  	_ =	shalt  }
0x4b: {  	_ =	shalt  }
0x4c: {  	_ =	shalt  }
0x4d: {  	_ =	shalt  }
0x4e: {  	_ =	shalt  }
0x4f: {  	_ =	shalt  }
0x50: {  	_ =	shalt  }
0x51: {  	_ =	shalt  }
0x52: {  	_ =	shalt  }
0x53: {  	_ =	shalt  }
0x54: {  	_ =	shalt  }
0x55: {  	_ =	shalt  }
0x56: {  	_ =	shalt  }
0x57: {  	_ =	shalt  }
0x58: {  	_ =	shalt  }
0x59: {  	_ =	shalt  }
0x5a: {  	_ =	shalt  }
0x5b: {  	_ =	shalt  }
0x5c: {  	_ =	shalt  }
0x5d: {  	_ =	shalt  }
0x5e: {  	_ =	shalt  }
0x5f: {  	_ =	shalt  }
0x60: {  	_ =	shalt  }
0x61: {  	_ =	shalt  }
0x62: {  	_ =	shalt  }
0x63: {  	_ =	shalt  }
0x64: {  	_ =	shalt  }
0x65: {  	_ =	shalt  }
0x66: {  	_ =	shalt  }
0x67: {  	_ =	shalt  }
0x68: {  	_ =	shalt  }
0x69: {  	_ =	shalt  }
0x6a: {  	_ =	shalt  }
0x6b: {  	_ =	shalt  }
0x6c: {  	_ =	shalt  }
0x6d: {  	_ =	shalt  }
0x6e: {  	_ =	shalt  }
0x6f: {  	_ =	shalt  }
0x70: {  	_ =	shalt  }
0x71: {  	_ =	shalt  }
0x72: {  	_ =	shalt  }
0x73: {  	_ =	shalt  }
0x74: {  	_ =	shalt  }
0x75: {  	_ =	shalt  }
0x76: {  	_ =	shalt  }
0x77: {  	_ =	shalt  }
0x78: {  	_ =	shalt  }
0x79: {  	_ =	shalt  }
0x7a: {  	_ =	shalt  }
0x7b: {  	_ =	shalt  }
0x7c: {  	_ =	shalt  }
0x7d: {  	_ =	shalt  }
0x7e: {  	_ =	shalt  }
0x7f: {  	_ =	shalt  }
0x80: {  	_ =	shalt  }
0x81: {  	_ =	shalt  }
0x82: {  	_ =	shalt  }
0x83: {  	_ =	shalt  }
0x84: {  	_ =	shalt  }
0x85: {  	_ =	shalt  }
0x86: {  	_ =	shalt  }
0x87: {  	_ =	shalt  }
.Lfunc_end0:
.L_simem_size_0:
called_computation_lowered:
.L_overlay_start_0:
0x88: {  	s2 =	sld [smem:$0x3FD9]  }
0x89: {  	s3 =	sld [smem:$0x3FFE];
	_ =	sdelay $0x1  }
0x8a: {  	s1 =	srdreg.scid  }
0x8b: {  	s0 =	sand.u32 $0x1, s1  }
0x8c: {  	s17 =	sshll.u32 s0, $0xA;
	s2 =	sadd.s32 s3, s2  }
0x8d: {  	s2 =	sadd.s32 s2, s17  }
0x8e: {  	[smem:$0x3FBA] =	sst s2  }
0x8f: {  	_ = 	snop  }
0x90: {  	s2 =	sld [smem:$0x3FC9]  }
0x91: {  	s18 =	sld [smem:$0x3FD0];
	(tm) =	ssettm $0x1  }
0x92: {  	s4 =	sld [smem:$0x3FFB];
	_ =	sdelay $0x3  }
0x93: {  	_ =	strace s4  }
0x94: {  	s4 =	sld [smem:$0x3FFC];
	_ =	sdelay $0x3  }
0x95: {  	_ =	strace s4  }
0x96: {  	s4 =	sld [smem:$0x3FFD];
	_ =	sdelay $0x3  }
0x97: {  	_ =	strace s4  }
0x98: {  	_ =	strace $0x8FFFFFFF  }
0x99: {  	s19 =	sld [smem:$0x3FDB];
	_ =	sdelay $0x1  }
0x9a: {  	s5 =	simm.s32 $_scs_section_size  }
0x9b: {  	s6 =	simm.s32 $_size__tile_overlayer_lowered;
	s7 =	simm.s32 $_tile_overlayer_lowered  }
0x9c: {  	s22 =	simm.s32 $0x1BFF;
	s21 =	sshll.u32 s7, $0x1;
	s4 =	sadd.s32 s5, s19  }
0x9d: {  	s8 =	simm.s32 $0x0;
	s20 =	sshll.u32 s6, $0x1;
	s6 =	sadd.s32 s21, s4  }
0x9e: {  	[timem:s8], [sflag:s22] =	dma.local [hbm:s6], s20  }
0x9f: {  	_ =	swait.ge [sflag:s22], s20  }
0xa0: {  	s5 =	ssub.s32 $0x0, s20;
	[sflag:s22] =	ssyncset.done $0x0  }
0xa1: {  	[sflag:s22] =	ssyncadd.s32 s5;
	_ =	sdelay $0x1  }
0xa2: {  	s23 =	simm.s32 $0x1B8B  }
0xa3: {  	_ =	swait.ge [sflag:s23], $0x1  }
0xa4: {  	[sflag:s23] =	ssyncset.done $0x0  }
0xa5: {  	s25 =	simm.s32 $0x1B8E;
	s24 =	sld [smem:$0x3FFE];
	[sflag:s23] =	ssyncadd.s32 $0xFFFFFFFF  }
0xa6: {  	s26 =	simm.s32 $execute0_lowered;
	[smem:$0x3FD2] =	sst s25  }
0xa7: {  	s6 =	sshll.u32 s26, $0x1;
	_ =	strace $0x80000046;
	[dreg:$0x1] =	wrdreg $0xFFFFFFFF  }
0xa8: {  	s28 =	simm.s32 $_size_execute0_lowered;
	s4 =	sadd.s32 s4, s6;
	[dreg:$0x0] =	wrdreg $0x0  }
0xa9: {  	s6 =	sshll.u32 s28, $0x1;
	[dreg:$0x2] =	wrdreg s4  }
0xaa: {  	[dreg:$0x3] =	wrdreg s6  }
0xab: {  	[dreg:$0x4] =	wrdreg $0xC0  }
0xac: {  	_ =	task [dreg:s8], $0x5FFFF  }
0xad: {  	[dreg:$0x1] =	wrdreg $0xFFFFFFFF  }
0xae: {  	[dreg:$0x0] =	wrdreg $0x60  }
0xaf: {  	[dreg:$0x2] =	wrdreg s2  }
0xb0: {  	[dreg:$0x3] =	wrdreg s18  }
0xb1: {  	[dreg:$0x4] =	wrdreg s24  }
0xb2: {  	[dreg:$0x5] =	wrdreg $0xA8800  }
0xb3: {  	[dreg:$0x6] =	wrdreg $0x1E8800  }
0xb4: {  	[dreg:$0x7] =	wrdreg $0x9  }
0xb5: {  	_ =	task.clear_ibuf [dreg:s8], $0x8FFFF;
	_ =	strace $0x90000046  }
0xb6: {  	s29 =	simm.s32 $0x9;
	_ =	strace $0x80000048  }
0xb7: {  	_ =	swait.ge [sflag:s29], $0x1  }
0xb8: {  	[sflag:s29] =	ssyncadd.s32 $0xFFFFFFFF  }
0xb9: {  	_ =	strace $0x90000048  }
0xba: {  	_ =	sfence  }
0xbb: {  	s30 =	sld [smem:$0x0];
	_ =	sdelay $0x2  }
0xbc: {  	s31 =	sshll.u32 s1, $0xD;
	s1 =	sshrl.u32 s1, $0x2  }
0xbd: {  	s3 =	sand.u32 $0x4000, s31;
	s1 =	sadd.s32 s1, s30  }
0xbe: {  	s0 =	sor.u32 s3, s0;
	s1 =	sshll.u32 s1, $0x11  }
0xbf: {  	s0 =	sor.u32 s1, s0  }
0xc0: {  	s0 =	sadd.s32 $0x8F2B, s0  }
0xc1: {  	[sflag:s0] =	ssyncadd.remote.s32 $0x1  }
0xc2: {  	_ =	sfence.sel $0xFFFF  }
0xc3: {  	[dreg:$0x0] =	wrdreg $0xFFFFFFFF;
	(pc) =	sbr.abs _section_cstart, $3  }
0xc4: {  	[dreg:$0x1] =	wrdreg $0xFFFFFFFF  }
0xc5: {  	_ =	task.clear_ibuf [dreg:s8], $0x2FFFF;
	_ =	strace $0x9FFFFFFF  }
0xc6: {  	(tm) =	ssettm $0x7FFFFFFF  }
0xc7: {  	_ =	shalt  }
tec
execute0_lowered:
.L_overlay_start_1:
0x0: {  	(tag) =	ssettag $0x1  }
0x1: {  	s1 =	rddreg [dreg:$0x0]  }
0x2: {  	s8 =	rddreg [dreg:$0x1]  }
0x3: {  	s6 =	rddreg [dreg:$0x2]  }
0x4: {  	s2 =	rddreg [dreg:$0x3]  }
0x5: {  	s3 =	rddreg [dreg:$0x4]  }
0x6: {  	s0 =	rddreg [dreg:$0x5];
	s4 =	simm.s32 $0x0;
	s5 =	srdreg.scid  }
0x7: {  	s13 =	stileid.u32;
	s17 =	simm.s32 $0x50;
	s18 =	simm.s32 $0x8000  }
0x8: {  	s19 =	simm.s32 $0x1;
	s20 =	simm.s32 $0xA800;
	s21 =	simm.s32 $0x0  }
0x9: {  	[smem:$0x7FF] =	sst s4;
	s7 =	sand.u32 $0x1, s5;
	s28 =	smul.u32 $0x14000, s13  }
0xa: {  	s10 =	sshll.u32 s13, $0xB;
	s5 =	sadd.s32 $0x3AC00, s6;
	s15 =	smul.u32 $0x50000, s13  }
0xb: {  	s31 =	sshll.u32 s13, $0x6;
	p0 =	sne.s32 s13, $0x0;
	s9 =	sshll.u32 s7, $0xF  }
0xc: {  	s11 =	smul.u32 $0x140000, s7;
	_ =	strace $0x80000047;
	s14 =	sshll.u32 s7, $0x4  }
0xd: {  	s7 =	ssub.s32 $0x2, s7;
	s9 =	sor.u32 s10, s9;
	s12 =	sshrl.u32 s28, $0x3  }
0xe: {  	s14 =	sadd.s32 s14, s6;
	s29 =	sshrl.u32 s7, $0x1;
	s30 =	sshrl.u32 s15, $0x2  }
0xf: {  	s10 =	sadd.s32 s9, s6;
	s11 =	sadd.s32 s28, s11;
	s12 =	sadd.s32 s12, s6  }
0x10: {  	s16 =	ssub.s32 s7, s29;
	s15 =	sadd.s32 s30, s2;
	s7 =	sor.u32 $0x1C02, s31  }
0x11: {  	s8 =	sadd.s32 s8, s9;
	s11 =	sshrl.u32 s11, $0x3;
	s9 =	sadd.s32 $0x2C00, s10  }
0x12: {  	s13 =	sshrl.u32 s15, $0x3;
	s15 =	sshrl.u32 @!p0 s3, $0x3;
	s11 =	sadd.s32 s11, s6  }
0x13: {  	s6 =	sadd.s32 $0x12C00, s12;
	s12 =	smax.u32 s16, $0x1;
	s16 =	simm.s32 $0x4000  }
0x14: {  	v0 =	vimm.f32 $1.000000000e+00;
	s10 =	sadd.s32 $0x3BC00, s11;
	s11 =	sadd.s32 $0x3B200, s14;
	s14 =	simm.s32 $0x2  }
.LBB2_1:
0x15: {  	[spmem:s13], [sflag:s7] =	dma.local [hbm:s6], $0x2800  }
0x16: {  	_ =	swait.ge [sflag:s14], $0x2800  }
0x17: {  	[sflag:s14] =	ssyncset.done $0x0  }
0x18: {  	s22 =	simm.s32 @!p0 $0x2;
	[sflag:s14] =	ssyncadd.s32 $0xFFFFD800  }
0x19: {  	[spmem:s15], [sflag:s7] =	dma.local @!p0 [hbm:s5], $0x500  }
0x1a: {  	_ =	swait.ge @!p0 [sflag:s22], $0x500  }
0x1b: {  	[sflag:s22] =	ssyncset.done @!p0 $0x0  }
0x1c: {  	[sflag:s22] =	ssyncadd.s32 @!p0 $0xFFFFFB00  }
0x1d: {  	[tilespmem:$0xA800] =	vst v0  }
0x1e: {  	[tilespmem:$0xA810] =	vst v0  }
0x1f: {  	[tilespmem:$0xA820] =	vst v0  }
0x20: {  	[tilespmem:$0xA830] =	vst v0  }
0x21: {  	[tilespmem:$0xA840] =	vst v0  }
0x22: {  	[tilespmem:s4], [sflag:$0x2] =	stream.linear.gather [hbm4b:s8+s4], $0x3E80, $0x38;
	[tilespmem:$0x1EB00] =	vst v63  }
0x23: {  	_ =	swait.ge [sflag:s14], $0x3E80  }
0x24: {  	[sflag:s14] =	ssyncset.done $0x0  }
0x25: {  	[sflag:s14] =	ssyncadd.s32 $0xFFFFC180  }
0x26: {  	[tilespmem:s16], [sflag:$0x2] =	stream.linear.gather [hbm4b:s9+s4], $0x3E80, $0x38;
	[tilespmem:$0x1EB00] =	vst v63  }
0x27: {  	_ =	swait.ge [sflag:s14], $0x3E80  }
0x28: {  	[sflag:s14] =	ssyncset.done $0x0  }
0x29: {  	[sflag:s14] =	ssyncadd.s32 $0xFFFFC180  }
0x2a: {  	s30 =	simm.s32 $0x0;
	[bflag:$0x0] =	sbarrier.arrive $0xFFFF  }
0x2b: {  	[tilespmem:s18], [sflag:$0x1] =	stream.indirect.gather [hbm4b:s1+s17], $0x80, s30, s17, $0xb8;
	[tilespmem:$0x1EB00] =	vst v63  }
0x2c: {  	_ =	swait.ge [sflag:s19], $0x2800  }
0x2d: {  	[sflag:s19] =	ssyncset.done $0x0  }
0x2e: {  	s31 =	simm.s32 $0x4000;
	[sflag:s19] =	ssyncadd.s32 $0xFFFFD800  }
0x2f: {  	[spmem:s2] =	stream.indirect.scatter.add.f32 [tilespmem:s18], [sflag:$0x2], $0x80, s31, s17, $0xb8;
	[tilespmem:$0x1EB00] =	vst v63  }
0x30: {  	_ =	swait.ge [sflag:s14], $0x2800  }
0x31: {  	[sflag:s14] =	ssyncset.done $0x0  }
0x32: {  	[sflag:s14] =	ssyncadd.s32 $0xFFFFD800  }
0x33: {  	[spmem:s3] =	stream.indirect.scatter.add.f32 [tilespmem:s20], [sflag:$0x2], $0x1, s31, s17, $0xb8;
	[tilespmem:$0x1EB00] =	vst v63  }
0x34: {  	_ =	swait.ge [sflag:s14], $0x50  }
0x35: {  	s23 =	simm.s32 $0x400;
	s22 =	simm.s32 $0x200;
	[sflag:s14] =	ssyncset.done $0x0  }
.LBB2_2:
0x36: {  	s24 =	sshra.s32 s22, $0x2  }
0x37: {  	[sflag:s14] =	ssyncadd.s32 $0xFFFFFFB0;
	s22 =	smov.u32 s23;
	s25 =	sadd.s32 $0x200, s23  }
0x38: {  	[tilespmem:s18], [sflag:$0x1] =	stream.indirect.gather [hbm4b:s1+s17], $0x80, s24, s17, $0xb8;
	[tilespmem:$0x1EB00] =	vst v63  }
0x39: {  	p1 =	sne.s32 s23, $0xF800;
	_ =	swait.ge [sflag:s19], $0x2800  }
0x3a: {  	[sflag:s19] =	ssyncset.done $0x0  }
0x3b: {  	s23 =	sadd.s32 $0x4000, s24;
	[sflag:s19] =	ssyncadd.s32 $0xFFFFD800  }
0x3c: {  	[spmem:s2] =	stream.indirect.scatter.add.f32 [tilespmem:s18], [sflag:$0x2], $0x80, s23, s17, $0xb8;
	[tilespmem:$0x1EB00] =	vst v63  }
0x3d: {  	_ =	swait.ge [sflag:s14], $0x2800  }
.Ltmp0:
0x3e: {  	[sflag:s14] =	ssyncset.done $0x0;
	(pc) =	sbr.rel @p1 .LBB2_2-.Ltmp0, $4  }
0x3f: {  	[sflag:s14] =	ssyncadd.s32 $0xFFFFD800  }
0x40: {  	[spmem:s3] =	stream.indirect.scatter.add.f32 [tilespmem:s20], [sflag:$0x2], $0x1, s23, s17, $0xb8;
	[tilespmem:$0x1EB00] =	vst v63  }
0x41: {  	_ =	swait.ge [sflag:s14], $0x50  }
0x42: {  	s23 =	smov.u32 s25;
	[sflag:s14] =	ssyncset.done $0x0  }
0x43: {  	s22 =	sshra.s32 s22, $0x2;
	[sflag:s14] =	ssyncadd.s32 $0xFFFFFFB0  }
0x44: {  	[tilespmem:s18], [sflag:$0x1] =	stream.indirect.gather [hbm4b:s1+s17], $0x80, s22, s17, $0xb8;
	[tilespmem:$0x1EB00] =	vst v63  }
0x45: {  	_ =	swait.ge [sflag:s19], $0x2800  }
0x46: {  	[sflag:s19] =	ssyncset.done $0x0  }
0x47: {  	s22 =	sadd.s32 $0x4000, s22;
	[sflag:s19] =	ssyncadd.s32 $0xFFFFD800  }
0x48: {  	[spmem:s2] =	stream.indirect.scatter.add.f32 [tilespmem:s18], [sflag:$0x2], $0x80, s22, s17, $0xb8;
	[tilespmem:$0x1EB00] =	vst v63  }
0x49: {  	_ =	swait.ge [sflag:s14], $0x2800  }
0x4a: {  	[sflag:s14] =	ssyncset.done $0x0  }
0x4b: {  	[sflag:s14] =	ssyncadd.s32 $0xFFFFD800  }
0x4c: {  	[spmem:s3] =	stream.indirect.scatter.add.f32 [tilespmem:s20], [sflag:$0x2], $0x1, s22, s17, $0xb8;
	[tilespmem:$0x1EB00] =	vst v63  }
0x4d: {  	_ =	swait.ge [sflag:s14], $0x50  }
0x4e: {  	[sflag:s14] =	ssyncset.done $0x0  }
0x4f: {  	[sflag:s14] =	ssyncadd.s32 $0xFFFFFFB0  }
0x50: {  	[bflag:$0x0] =	sbarrier.arrive $0xFFFF  }
0x51: {  	[hbm:s10], [sflag:s7] =	dma.local [spmem:s13], $0x2800  }
0x52: {  	s23 =	simm.s32 @!p0 $0x20;
	_ =	swait.ge [sflag:s14], $0x2800  }
0x53: {  	s24 =	simm.s32 @!p0 $0x10;
	s21 =	sadd.s32 $0x1, s21;
	[sflag:s14] =	ssyncset.done $0x0  }
0x54: {  	p1 =	sne.s32 s21, s12;
	s22 =	simm.s32 @!p0 $0x1;
	[sflag:s14] =	ssyncadd.s32 $0xFFFFD800  }
0x55: {  	[hbm:s11@s23], [sflag:s7] =	dma.strided @!p0 [spmem:s15@s24], $0x500, s22, $0x10   }
.Ltmp1:
0x56: {  	_ = 	snop;
	(pc) =	sbr.rel @p1 .LBB2_1-.Ltmp1, $4  }
0x57: {  	s22 =	simm.s32 @!p0 $0x2  }
0x58: {  	_ =	swait.ge @!p0 [sflag:s22], $0x500  }
0x59: {  	[sflag:s22] =	ssyncset.done @!p0 $0x0  }
0x5a: {  	[sflag:s22] =	ssyncadd.s32 @!p0 $0xFFFFFB00  }
0x5b: {  	_ =	sfence.sel $0x180000  }
0x5c: {  	[bflag:$0x0] =	sbarrier.arrive $0xFFFF  }
0x5d: {  	_ =	strace $0x90000047  }
0x5e: {  	s0 =	sadd.s32 @!p0 $0x100000, s0;
	[bflag:$0x2] =	sbarrier.arrive $0xFFFF  }
0x5f: {  	[sflag:s0] =	ssyncadd.tile.s32 @!p0 $0x1;
	_ =	shalt  }
.Lfunc_end2:
_tile_overlayer_lowered:
.L_overlay_start_2:
0x60: {  	(tag) =	ssettag $0x2  }
0x61: {  	s0 =	rddreg [dreg:$0x0];
	s2 =	stileid.u32  }
0x62: {  	s1 =	rddreg [dreg:$0x1];
	p0 =	sne.s32 s2, $0x0  }
0x63: {  	s3 =	rddreg [dreg:$0x2];
	[bflag:$0x3] =	sbarrier.arrive $0xFFFF;
	s2 =	simm.s32 @!p0 $0x1C02  }
0x64: {  	[timem:s3], [sflag:s2] =	dma.local @!p0 [hbm:s0], s1  }
0x65: {  	s0 =	simm.s32 @!p0 $0x2  }
0x66: {  	_ =	swait.ge @!p0 [sflag:s0], s1  }
0x67: {  	s1 =	ssub.s32 @!p0 $0x0, s1;
	[sflag:s0] =	ssyncset.done @!p0 $0x0  }
0x68: {  	[sflag:s0] =	ssyncadd.s32 @!p0 s1  }
0x69: {  	[bflag:$0x3] =	sbarrier.arrive $0xFFFF  }
0x6a: {  	_ =	shalt  }

</sc_bundles>
